<compile_context>
chip_gen: v7x
topology: tpu7x:2x2x1
jax: 0.10.2.dev20260603
libtpu: 0.0.44.dev20260713+nightly
codegen_flags: <defaults>
</compile_context>

<pallas_src>
import functools

import jax
import jax.numpy as jnp
from jax import lax
from jax.experimental import pallas as pl
from jax.experimental.pallas import tpu as pltpu
from jax.experimental.pallas import tpu_sc as plsc

N_NODE = 100000
EMB_DIM = 128
BATCH = 16384

NC = 2
NS = 16
NW = NC * NS
ROWS_PER_W = BATCH // NW
CH = 128
NCH = ROWS_PER_W // CH
NBUF = 3


def _disc_body(node_id, nbr_id, emb, bias_vec,
               score_o, ne_o, nn_o, bias_o,
               idx_a, idx_b, bias_v, score_v, tp,
               a0, a1, a2, b0, b1, b2,
               *sems):
    A = [a0, a1, a2]
    B = [b0, b1, b2]
    ga = sems[0:NCH]
    gb = sems[NCH:2 * NCH]
    oa = sems[2 * NCH:3 * NCH]
    ob = sems[3 * NCH:4 * NCH]
    sbias = sems[4 * NCH]

    wid = lax.axis_index("s") * NC + lax.axis_index("c")
    iota16 = lax.iota(jnp.int32, 16) * 16
    base = wid * ROWS_PER_W

    sidx = sems[4 * NCH + 1]
    cp_i0 = pltpu.async_copy(node_id.at[pl.ds(base, CH)],
                             idx_a.at[pl.ds(0, CH)], sidx)
    cp_i1 = pltpu.async_copy(nbr_id.at[pl.ds(base, CH)],
                             idx_b.at[pl.ds(0, CH)], sidx)
    rest = ROWS_PER_W - CH
    cp_i2 = pltpu.async_copy(node_id.at[pl.ds(base + CH, rest)],
                             idx_a.at[pl.ds(CH, rest)], sbias)
    cp_i3 = pltpu.async_copy(nbr_id.at[pl.ds(base + CH, rest)],
                             idx_b.at[pl.ds(CH, rest)], sbias)
    cp_i0.wait()
    cp_i1.wait()

    gath_a = [None] * NCH
    gath_b = [None] * NCH
    out_a = [None] * NCH
    out_b = [None] * NCH

    def start_gather(i):
        buf = i % NBUF
        gath_a[i] = pltpu.async_copy(
            emb.at[idx_a.at[pl.ds(i * CH, CH)]], A[buf], ga[i])
        gath_b[i] = pltpu.async_copy(
            emb.at[idx_b.at[pl.ds(i * CH, CH)]], B[buf], gb[i])

    start_gather(0)
    cp_i2.wait()
    cp_i3.wait()
    start_gather(1)
    cp_bias = pltpu.async_copy(bias_vec.at[idx_b], bias_v, sbias)
    cp_bias.wait()

    for i in range(NCH):
        buf = i % NBUF
        gath_a[i].wait()
        gath_b[i].wait()

        av = A[buf]
        bv = B[buf]
        cbase = i * CH

        out_a[i] = pltpu.async_copy(av, ne_o.at[pl.ds(base + cbase, CH)], oa[i])
        out_b[i] = pltpu.async_copy(bv, nn_o.at[pl.ds(base + cbase, CH)], ob[i])

        if i + 2 < NCH:
            if i - 1 >= 0:
                out_a[i - 1].wait()
                out_b[i - 1].wait()
            start_gather(i + 2)

        def group_body(g, carry, av=av, bv=bv, cbase=cbase):
            gbase = g * 16

            def row_body(r, carry2):
                row = gbase + r
                acc = av[row, pl.ds(0, 16)] * bv[row, pl.ds(0, 16)]
                for c in range(1, 8):
                    acc = acc + (av[row, pl.ds(c * 16, 16)]
                                 * bv[row, pl.ds(c * 16, 16)])
                tp[pl.ds(r * 16, 16)] = acc
                return carry2

            lax.fori_loop(0, 16, row_body, 0)
            s = plsc.load_gather(tp, [iota16])
            for j in range(1, 16):
                s = s + plsc.load_gather(tp, [iota16 + j])
            s = s + bias_v[pl.ds(cbase + gbase, 16)]
            s = jnp.minimum(jnp.maximum(s, -10.0), 10.0)
            score_v[pl.ds(cbase + gbase, 16)] = s
            return carry

        lax.fori_loop(0, CH // 16, group_body, 0)

    cp_so = pltpu.async_copy(score_v, score_o.at[pl.ds(base, ROWS_PER_W)], sidx)
    cp_bo = pltpu.async_copy(bias_v, bias_o.at[pl.ds(base, ROWS_PER_W)], sidx)
    for i in range(1, NCH):
        out_a[i].wait()
        out_b[i].wait()
    cp_so.wait()
    cp_bo.wait()


_disc = functools.partial(
    pl.kernel,
    out_type=(
        jax.ShapeDtypeStruct((BATCH,), jnp.float32),
        jax.ShapeDtypeStruct((BATCH, EMB_DIM), jnp.float32),
        jax.ShapeDtypeStruct((BATCH, EMB_DIM), jnp.float32),
        jax.ShapeDtypeStruct((BATCH,), jnp.float32),
    ),
    mesh=plsc.VectorSubcoreMesh(core_axis_name="c", subcore_axis_name="s",
                                num_cores=NC, num_subcores=NS),
    compiler_params=pltpu.CompilerParams(needs_layout_passes=False),
    scratch_types=(
        [
            pltpu.VMEM((ROWS_PER_W,), jnp.int32),
            pltpu.VMEM((ROWS_PER_W,), jnp.int32),
            pltpu.VMEM((ROWS_PER_W,), jnp.float32),
            pltpu.VMEM((ROWS_PER_W,), jnp.float32),
            pltpu.VMEM((256,), jnp.float32),
        ]
        + [pltpu.VMEM((CH, EMB_DIM), jnp.float32)] * (2 * NBUF)
        + [pltpu.SemaphoreType.DMA] * (4 * NCH + 2)
    ),
)(_disc_body)


@jax.jit
def kernel(node_id, node_neighbor_id, embedding_matrix, bias_vector):
    score, ne, nn, bias = _disc(node_id.astype(jnp.int32),
                                node_neighbor_id.astype(jnp.int32),
                                embedding_matrix, bias_vector)
    return (score, ne, nn, bias)

# --- scband reference (transcript-rebuilt; emitter-appended) ---
"""Pipeline reference for scband-discriminator-27212912787796 (READ-ONLY COPY).

The authoritative reference and input builder live on the scoring server;
editing this copy changes nothing except your own understanding.
"""

import jax, jax.numpy as jnp
import numpy as np

N_NODE = 100000
EMB_DIM = 128
BATCH = 16384

def setup_inputs(seed: int = 0) -> dict:
    key = jax.random.key(seed)
    k1, k2, k3 = jax.random.split(key, 3)
    node_id = jax.random.randint(k1, (BATCH,), 0, N_NODE, dtype=jnp.int64 if jax.config.jax_enable_x64 else jnp.int32)
    node_neighbor_id = jax.random.randint(k2, (BATCH,), 0, N_NODE, dtype=jnp.int64 if jax.config.jax_enable_x64 else jnp.int32)
    # learned parameters: embedding_matrix initialized from node_emd_init, bias_vector zeros
    embedding_matrix = jax.random.normal(k3, (N_NODE, EMB_DIM), dtype=jnp.float32)
    bias_vector = jnp.zeros((N_NODE,), dtype=jnp.float32)
    return {
        "node_id": node_id,
        "node_neighbor_id": node_neighbor_id,
        "embedding_matrix": embedding_matrix,
        "bias_vector": bias_vector,
    }

def reference(node_id, node_neighbor_id, embedding_matrix, bias_vector):
    # Faithful translation of Discriminator.forward
    node_embedding = jnp.take(embedding_matrix, node_id, axis=0)
    node_neighbor_embedding = jnp.take(embedding_matrix, node_neighbor_id, axis=0)
    bias = jnp.take(bias_vector, node_neighbor_id, axis=0)
    score = jnp.sum(node_embedding * node_neighbor_embedding, axis=1) + bias
    score = jnp.clip(score, -10.0, 10.0)
    return (score, node_embedding, node_neighbor_embedding, bias)

if __name__ == "__main__":
    import jax
    _d = setup_inputs()
    print(jax.jit(kernel)(*tuple(_d.values())))

</pallas_src>

<mosaic_0001>
#map = affine_map<(d0, d1) -> (0)>
#map1 = affine_map<(d0, d1) -> (0, 0)>
module attributes {stable_mosaic.version = 14 : i64} {
  func.func @_disc_body(%arg0: i32, %arg1: i32, %arg2: memref<16384xi32, #tpu.memory_space<hbm>>, %arg3: memref<16384xi32, #tpu.memory_space<hbm>>, %arg4: memref<100000x128xf32, #tpu.memory_space<hbm>>, %arg5: memref<100000xf32, #tpu.memory_space<hbm>>, %arg6: memref<16384xf32, #tpu.memory_space<hbm>>, %arg7: memref<16384x128xf32, #tpu.memory_space<hbm>>, %arg8: memref<16384x128xf32, #tpu.memory_space<hbm>>, %arg9: memref<16384xf32, #tpu.memory_space<hbm>>, %arg10: memref<512xi32, #tpu.memory_space<vmem>>, %arg11: memref<512xi32, #tpu.memory_space<vmem>>, %arg12: memref<512xf32, #tpu.memory_space<vmem>>, %arg13: memref<512xf32, #tpu.memory_space<vmem>>, %arg14: memref<256xf32, #tpu.memory_space<vmem>>, %arg15: memref<128x128xf32, #tpu.memory_space<vmem>>, %arg16: memref<128x128xf32, #tpu.memory_space<vmem>>, %arg17: memref<128x128xf32, #tpu.memory_space<vmem>>, %arg18: memref<128x128xf32, #tpu.memory_space<vmem>>, %arg19: memref<128x128xf32, #tpu.memory_space<vmem>>, %arg20: memref<128x128xf32, #tpu.memory_space<vmem>>, %arg21: memref<!tpu.dma_semaphore, #tpu.memory_space<semaphore_mem>>, %arg22: memref<!tpu.dma_semaphore, #tpu.memory_space<semaphore_mem>>, %arg23: memref<!tpu.dma_semaphore, #tpu.memory_space<semaphore_mem>>, %arg24: memref<!tpu.dma_semaphore, #tpu.memory_space<semaphore_mem>>, %arg25: memref<!tpu.dma_semaphore, #tpu.memory_space<semaphore_mem>>, %arg26: memref<!tpu.dma_semaphore, #tpu.memory_space<semaphore_mem>>, %arg27: memref<!tpu.dma_semaphore, #tpu.memory_space<semaphore_mem>>, %arg28: memref<!tpu.dma_semaphore, #tpu.memory_space<semaphore_mem>>, %arg29: memref<!tpu.dma_semaphore, #tpu.memory_space<semaphore_mem>>, %arg30: memref<!tpu.dma_semaphore, #tpu.memory_space<semaphore_mem>>, %arg31: memref<!tpu.dma_semaphore, #tpu.memory_space<semaphore_mem>>, %arg32: memref<!tpu.dma_semaphore, #tpu.memory_space<semaphore_mem>>, %arg33: memref<!tpu.dma_semaphore, #tpu.memory_space<semaphore_mem>>, %arg34: memref<!tpu.dma_semaphore, #tpu.memory_space<semaphore_mem>>, %arg35: memref<!tpu.dma_semaphore, #tpu.memory_space<semaphore_mem>>, %arg36: memref<!tpu.dma_semaphore, #tpu.memory_space<semaphore_mem>>, %arg37: memref<!tpu.dma_semaphore, #tpu.memory_space<semaphore_mem>>, %arg38: memref<!tpu.dma_semaphore, #tpu.memory_space<semaphore_mem>>) attributes {dimension_semantics = [#tpu.dimension_semantics<core_parallel>, #tpu.dimension_semantics<subcore_parallel>], iteration_bounds = array<i64: 2, 16>, scalar_prefetch = 0 : i64, scratch_operands = 29 : i64, tpu.core_type = #tpu.core_type<sc_vector_subcore>, window_params = [{transform_indices = #map}, {transform_indices = #map}, {transform_indices = #map1}, {transform_indices = #map}, {transform_indices = #map}, {transform_indices = #map1}, {transform_indices = #map1}, {transform_indices = #map}]} {
    %mul3A = arith.constant 2 : i32
    %mul3A_0 = arith.muli %arg1, %mul3A : i32
    %add3A = arith.addi %mul3A_0, %arg0 : i32
    %iota3A = tpu.iota {dimensions = array<i32: 0>} : vector<16xi32>
    %mul3A_1 = arith.constant 16 : i32
    %mul3A_2 = vector.broadcast %mul3A_1 : i32 to vector<16xi32>
    %mul3A_3 = arith.muli %iota3A, %mul3A_2 : vector<16xi32>
    %mul3A_4 = arith.constant 512 : i32
    %mul3A_5 = arith.muli %add3A, %mul3A_4 : i32
    %dma_start3A = arith.constant 0 : i32
    %dma_start3A_6 = tpu.memref_slice %arg10[%dma_start3A] : memref<512xi32, #tpu.memory_space<vmem>> -> memref<128xi32, #tpu.memory_space<vmem>>
    %dma_start3A_7 = tpu.memref_slice %arg2[%mul3A_5] : memref<16384xi32, #tpu.memory_space<hbm>> -> memref<128xi32, #tpu.memory_space<hbm>>
    %dma_start3A_8 = arith.constant 0 : i32
    %dma_start3A_9 = tpu.memref_slice %arg10[%dma_start3A_8] : memref<512xi32, #tpu.memory_space<vmem>> -> memref<128xi32, #tpu.memory_space<vmem>>
    %dma_start3A_10 = tpu.memref_slice %arg2[%mul3A_5] : memref<16384xi32, #tpu.memory_space<hbm>> -> memref<128xi32, #tpu.memory_space<hbm>>
    tpu.enqueue_dma source(%dma_start3A_10 : memref<128xi32, #tpu.memory_space<hbm>>) target(%dma_start3A_9 : memref<128xi32, #tpu.memory_space<vmem>>) target_semaphore(%arg38 : memref<!tpu.dma_semaphore, #tpu.memory_space<semaphore_mem>>)
    %dma_start3A_11 = arith.constant 0 : i32
    %dma_start3A_12 = tpu.memref_slice %arg11[%dma_start3A_11] : memref<512xi32, #tpu.memory_space<vmem>> -> memref<128xi32, #tpu.memory_space<vmem>>
    %dma_start3A_13 = tpu.memref_slice %arg3[%mul3A_5] : memref<16384xi32, #tpu.memory_space<hbm>> -> memref<128xi32, #tpu.memory_space<hbm>>
    %dma_start3A_14 = arith.constant 0 : i32
    %dma_start3A_15 = tpu.memref_slice %arg11[%dma_start3A_14] : memref<512xi32, #tpu.memory_space<vmem>> -> memref<128xi32, #tpu.memory_space<vmem>>
    %dma_start3A_16 = tpu.memref_slice %arg3[%mul3A_5] : memref<16384xi32, #tpu.memory_space<hbm>> -> memref<128xi32, #tpu.memory_space<hbm>>
    tpu.enqueue_dma source(%dma_start3A_16 : memref<128xi32, #tpu.memory_space<hbm>>) target(%dma_start3A_15 : memref<128xi32, #tpu.memory_space<vmem>>) target_semaphore(%arg38 : memref<!tpu.dma_semaphore, #tpu.memory_space<semaphore_mem>>)
    %add3A_17 = arith.constant 128 : i32
    %add3A_18 = arith.addi %mul3A_5, %add3A_17 : i32
    %dma_start3A_19 = arith.constant 128 : i32
    %dma_start3A_20 = tpu.memref_slice %arg10[%dma_start3A_19] : memref<512xi32, #tpu.memory_space<vmem>> -> memref<384xi32, #tpu.memory_space<vmem>>
    %dma_start3A_21 = tpu.memref_slice %arg2[%add3A_18] : memref<16384xi32, #tpu.memory_space<hbm>> -> memref<384xi32, #tpu.memory_space<hbm>>
    %dma_start3A_22 = arith.constant 128 : i32
    %dma_start3A_23 = tpu.memref_slice %arg10[%dma_start3A_22] : memref<512xi32, #tpu.memory_space<vmem>> -> memref<384xi32, #tpu.memory_space<vmem>>
    %dma_start3A_24 = tpu.memref_slice %arg2[%add3A_18] : memref<16384xi32, #tpu.memory_space<hbm>> -> memref<384xi32, #tpu.memory_space<hbm>>
    tpu.enqueue_dma source(%dma_start3A_24 : memref<384xi32, #tpu.memory_space<hbm>>) target(%dma_start3A_23 : memref<384xi32, #tpu.memory_space<vmem>>) target_semaphore(%arg37 : memref<!tpu.dma_semaphore, #tpu.memory_space<semaphore_mem>>)
    %add3A_25 = arith.constant 128 : i32
    %add3A_26 = arith.addi %mul3A_5, %add3A_25 : i32
    %dma_start3A_27 = arith.constant 128 : i32
    %dma_start3A_28 = tpu.memref_slice %arg11[%dma_start3A_27] : memref<512xi32, #tpu.memory_space<vmem>> -> memref<384xi32, #tpu.memory_space<vmem>>
    %dma_start3A_29 = tpu.memref_slice %arg3[%add3A_26] : memref<16384xi32, #tpu.memory_space<hbm>> -> memref<384xi32, #tpu.memory_space<hbm>>
    %dma_start3A_30 = arith.constant 128 : i32
    %dma_start3A_31 = tpu.memref_slice %arg11[%dma_start3A_30] : memref<512xi32, #tpu.memory_space<vmem>> -> memref<384xi32, #tpu.memory_space<vmem>>
    %dma_start3A_32 = tpu.memref_slice %arg3[%add3A_26] : memref<16384xi32, #tpu.memory_space<hbm>> -> memref<384xi32, #tpu.memory_space<hbm>>
    tpu.enqueue_dma source(%dma_start3A_32 : memref<384xi32, #tpu.memory_space<hbm>>) target(%dma_start3A_31 : memref<384xi32, #tpu.memory_space<vmem>>) target_semaphore(%arg37 : memref<!tpu.dma_semaphore, #tpu.memory_space<semaphore_mem>>)
    %dma_wait3A = arith.constant 0 : i32
    %dma_wait3A_33 = tpu.memref_slice %arg10[%dma_wait3A] : memref<512xi32, #tpu.memory_space<vmem>> -> memref<128xi32, #tpu.memory_space<vmem>>
    %dma_wait3A_34 = tpu.memref_slice %arg2[%mul3A_5] : memref<16384xi32, #tpu.memory_space<hbm>> -> memref<128xi32, #tpu.memory_space<hbm>>
    %dma_wait3A_35 = arith.constant 0 : i32
    %dma_wait3A_36 = tpu.memref_slice %arg10[%dma_wait3A_35] : memref<512xi32, #tpu.memory_space<vmem>> -> memref<128xi32, #tpu.memory_space<vmem>>
    %dma_wait3A_37 = tpu.memref_slice %arg2[%mul3A_5] : memref<16384xi32, #tpu.memory_space<hbm>> -> memref<128xi32, #tpu.memory_space<hbm>>
    tpu.wait_dma2 semaphore(%arg38 : memref<!tpu.dma_semaphore, #tpu.memory_space<semaphore_mem>>) src(%dma_wait3A_37 : memref<128xi32, #tpu.memory_space<hbm>>) dst(%dma_wait3A_36 : memref<128xi32, #tpu.memory_space<vmem>>)
    %dma_wait3A_38 = arith.constant 0 : i32
    %dma_wait3A_39 = tpu.memref_slice %arg11[%dma_wait3A_38] : memref<512xi32, #tpu.memory_space<vmem>> -> memref<128xi32, #tpu.memory_space<vmem>>
    %dma_wait3A_40 = tpu.memref_slice %arg3[%mul3A_5] : memref<16384xi32, #tpu.memory_space<hbm>> -> memref<128xi32, #tpu.memory_space<hbm>>
    %dma_wait3A_41 = arith.constant 0 : i32
    %dma_wait3A_42 = tpu.memref_slice %arg11[%dma_wait3A_41] : memref<512xi32, #tpu.memory_space<vmem>> -> memref<128xi32, #tpu.memory_space<vmem>>
    %dma_wait3A_43 = tpu.memref_slice %arg3[%mul3A_5] : memref<16384xi32, #tpu.memory_space<hbm>> -> memref<128xi32, #tpu.memory_space<hbm>>
    tpu.wait_dma2 semaphore(%arg38 : memref<!tpu.dma_semaphore, #tpu.memory_space<semaphore_mem>>) src(%dma_wait3A_43 : memref<128xi32, #tpu.memory_space<hbm>>) dst(%dma_wait3A_42 : memref<128xi32, #tpu.memory_space<vmem>>)
    %dma_start3A_44 = arith.constant 0 : i32
    %dma_start3A_45 = tpu.memref_slice %arg10[%dma_start3A_44] : memref<512xi32, #tpu.memory_space<vmem>> -> memref<128xi32, #tpu.memory_space<vmem>>
    %dma_start3A_46 = arith.constant 0 : i32
    %dma_start3A_47 = arith.constant 0 : i32
    %dma_start3A_48 = tpu.memref_slice %arg4[%dma_start3A_46, %dma_start3A_47] : memref<100000x128xf32, #tpu.memory_space<hbm>> -> memref<100000x128xf32, #tpu.memory_space<hbm>>
    tpu.enqueue_indirect_dma source(%dma_start3A_48 : memref<100000x128xf32, #tpu.memory_space<hbm>>) target(%arg15 : memref<128x128xf32, #tpu.memory_space<vmem>>) offsets(%dma_start3A_45 : memref<128xi32, #tpu.memory_space<vmem>>) semaphore(%arg21 : memref<!tpu.dma_semaphore, #tpu.memory_space<semaphore_mem>>)
    %dma_start3A_49 = arith.constant 0 : i32
    %dma_start3A_50 = tpu.memref_slice %arg11[%dma_start3A_49] : memref<512xi32, #tpu.memory_space<vmem>> -> memref<128xi32, #tpu.memory_space<vmem>>
    %dma_start3A_51 = arith.constant 0 : i32
    %dma_start3A_52 = arith.constant 0 : i32
    %dma_start3A_53 = tpu.memref_slice %arg4[%dma_start3A_51, %dma_start3A_52] : memref<100000x128xf32, #tpu.memory_space<hbm>> -> memref<100000x128xf32, #tpu.memory_space<hbm>>
    tpu.enqueue_indirect_dma source(%dma_start3A_53 : memref<100000x128xf32, #tpu.memory_space<hbm>>) target(%arg18 : memref<128x128xf32, #tpu.memory_space<vmem>>) offsets(%dma_start3A_50 : memref<128xi32, #tpu.memory_space<vmem>>) semaphore(%arg25 : memref<!tpu.dma_semaphore, #tpu.memory_space<semaphore_mem>>)
    %dma_wait3A_54 = arith.constant 128 : i32
    %dma_wait3A_55 = tpu.memref_slice %arg10[%dma_wait3A_54] : memref<512xi32, #tpu.memory_space<vmem>> -> memref<384xi32, #tpu.memory_space<vmem>>
    %dma_wait3A_56 = tpu.memref_slice %arg2[%add3A_18] : memref<16384xi32, #tpu.memory_space<hbm>> -> memref<384xi32, #tpu.memory_space<hbm>>
    %dma_wait3A_57 = arith.constant 128 : i32
    %dma_wait3A_58 = tpu.memref_slice %arg10[%dma_wait3A_57] : memref<512xi32, #tpu.memory_space<vmem>> -> memref<384xi32, #tpu.memory_space<vmem>>
    %dma_wait3A_59 = tpu.memref_slice %arg2[%add3A_18] : memref<16384xi32, #tpu.memory_space<hbm>> -> memref<384xi32, #tpu.memory_space<hbm>>
    tpu.wait_dma2 semaphore(%arg37 : memref<!tpu.dma_semaphore, #tpu.memory_space<semaphore_mem>>) src(%dma_wait3A_59 : memref<384xi32, #tpu.memory_space<hbm>>) dst(%dma_wait3A_58 : memref<384xi32, #tpu.memory_space<vmem>>)
    %dma_wait3A_60 = arith.constant 128 : i32
    %dma_wait3A_61 = tpu.memref_slice %arg11[%dma_wait3A_60] : memref<512xi32, #tpu.memory_space<vmem>> -> memref<384xi32, #tpu.memory_space<vmem>>
    %dma_wait3A_62 = tpu.memref_slice %arg3[%add3A_26] : memref<16384xi32, #tpu.memory_space<hbm>> -> memref<384xi32, #tpu.memory_space<hbm>>
    %dma_wait3A_63 = arith.constant 128 : i32
    %dma_wait3A_64 = tpu.memref_slice %arg11[%dma_wait3A_63] : memref<512xi32, #tpu.memory_space<vmem>> -> memref<384xi32, #tpu.memory_space<vmem>>
    %dma_wait3A_65 = tpu.memref_slice %arg3[%add3A_26] : memref<16384xi32, #tpu.memory_space<hbm>> -> memref<384xi32, #tpu.memory_space<hbm>>
    tpu.wait_dma2 semaphore(%arg37 : memref<!tpu.dma_semaphore, #tpu.memory_space<semaphore_mem>>) src(%dma_wait3A_65 : memref<384xi32, #tpu.memory_space<hbm>>) dst(%dma_wait3A_64 : memref<384xi32, #tpu.memory_space<vmem>>)
    %dma_start3A_66 = arith.constant 128 : i32
    %dma_start3A_67 = tpu.memref_slice %arg10[%dma_start3A_66] : memref<512xi32, #tpu.memory_space<vmem>> -> memref<128xi32, #tpu.memory_space<vmem>>
    %dma_start3A_68 = arith.constant 0 : i32
    %dma_start3A_69 = arith.constant 0 : i32
    %dma_start3A_70 = tpu.memref_slice %arg4[%dma_start3A_68, %dma_start3A_69] : memref<100000x128xf32, #tpu.memory_space<hbm>> -> memref<100000x128xf32, #tpu.memory_space<hbm>>
    tpu.enqueue_indirect_dma source(%dma_start3A_70 : memref<100000x128xf32, #tpu.memory_space<hbm>>) target(%arg16 : memref<128x128xf32, #tpu.memory_space<vmem>>) offsets(%dma_start3A_67 : memref<128xi32, #tpu.memory_space<vmem>>) semaphore(%arg22 : memref<!tpu.dma_semaphore, #tpu.memory_space<semaphore_mem>>)
    %dma_start3A_71 = arith.constant 128 : i32
    %dma_start3A_72 = tpu.memref_slice %arg11[%dma_start3A_71] : memref<512xi32, #tpu.memory_space<vmem>> -> memref<128xi32, #tpu.memory_space<vmem>>
    %dma_start3A_73 = arith.constant 0 : i32
    %dma_start3A_74 = arith.constant 0 : i32
    %dma_start3A_75 = tpu.memref_slice %arg4[%dma_start3A_73, %dma_start3A_74] : memref<100000x128xf32, #tpu.memory_space<hbm>> -> memref<100000x128xf32, #tpu.memory_space<hbm>>
    tpu.enqueue_indirect_dma source(%dma_start3A_75 : memref<100000x128xf32, #tpu.memory_space<hbm>>) target(%arg19 : memref<128x128xf32, #tpu.memory_space<vmem>>) offsets(%dma_start3A_72 : memref<128xi32, #tpu.memory_space<vmem>>) semaphore(%arg26 : memref<!tpu.dma_semaphore, #tpu.memory_space<semaphore_mem>>)
    %dma_start3A_76 = arith.constant 0 : i32
    %dma_start3A_77 = tpu.memref_slice %arg5[%dma_start3A_76] : memref<100000xf32, #tpu.memory_space<hbm>> -> memref<100000xf32, #tpu.memory_space<hbm>>
    tpu.enqueue_indirect_dma source(%dma_start3A_77 : memref<100000xf32, #tpu.memory_space<hbm>>) target(%arg12 : memref<512xf32, #tpu.memory_space<vmem>>) offsets(%arg11 : memref<512xi32, #tpu.memory_space<vmem>>) semaphore(%arg37 : memref<!tpu.dma_semaphore, #tpu.memory_space<semaphore_mem>>)
    %dma_wait3A_78 = arith.constant 0 : i32
    %dma_wait3A_79 = tpu.memref_slice %arg5[%dma_wait3A_78] : memref<100000xf32, #tpu.memory_space<hbm>> -> memref<100000xf32, #tpu.memory_space<hbm>>
    tpu.wait_indirect_dma semaphore(%arg37 : memref<!tpu.dma_semaphore, #tpu.memory_space<semaphore_mem>>) src(%dma_wait3A_79 : memref<100000xf32, #tpu.memory_space<hbm>>) dst(%arg12 : memref<512xf32, #tpu.memory_space<vmem>>)
    %dma_wait3A_80 = arith.constant 0 : i32
    %dma_wait3A_81 = tpu.memref_slice %arg10[%dma_wait3A_80] : memref<512xi32, #tpu.memory_space<vmem>> -> memref<128xi32, #tpu.memory_space<vmem>>
    %dma_wait3A_82 = arith.constant 0 : i32
    %dma_wait3A_83 = arith.constant 0 : i32
    %dma_wait3A_84 = tpu.memref_slice %arg4[%dma_wait3A_82, %dma_wait3A_83] : memref<100000x128xf32, #tpu.memory_space<hbm>> -> memref<100000x128xf32, #tpu.memory_space<hbm>>
    tpu.wait_indirect_dma semaphore(%arg21 : memref<!tpu.dma_semaphore, #tpu.memory_space<semaphore_mem>>) src(%dma_wait3A_84 : memref<100000x128xf32, #tpu.memory_space<hbm>>) dst(%arg15 : memref<128x128xf32, #tpu.memory_space<vmem>>)
    %dma_wait3A_85 = arith.constant 0 : i32
    %dma_wait3A_86 = tpu.memref_slice %arg11[%dma_wait3A_85] : memref<512xi32, #tpu.memory_space<vmem>> -> memref<128xi32, #tpu.memory_space<vmem>>
    %dma_wait3A_87 = arith.constant 0 : i32
    %dma_wait3A_88 = arith.constant 0 : i32
    %dma_wait3A_89 = tpu.memref_slice %arg4[%dma_wait3A_87, %dma_wait3A_88] : memref<100000x128xf32, #tpu.memory_space<hbm>> -> memref<100000x128xf32, #tpu.memory_space<hbm>>
    tpu.wait_indirect_dma semaphore(%arg25 : memref<!tpu.dma_semaphore, #tpu.memory_space<semaphore_mem>>) src(%dma_wait3A_89 : memref<100000x128xf32, #tpu.memory_space<hbm>>) dst(%arg18 : memref<128x128xf32, #tpu.memory_space<vmem>>)
    %add3A_90 = arith.constant 0 : i32
    %add3A_91 = arith.addi %mul3A_5, %add3A_90 : i32
    %dma_start3A_92 = arith.constant 0 : i32
    %dma_start3A_93 = tpu.memref_slice %arg7[%add3A_91, %dma_start3A_92] : memref<16384x128xf32, #tpu.memory_space<hbm>> -> memref<128x128xf32, #tpu.memory_space<hbm>>
    %dma_start3A_94 = arith.constant 0 : i32
    %dma_start3A_95 = tpu.memref_slice %arg7[%add3A_91, %dma_start3A_94] : memref<16384x128xf32, #tpu.memory_space<hbm>> -> memref<128x128xf32, #tpu.memory_space<hbm>>
    tpu.enqueue_dma source(%arg15 : memref<128x128xf32, #tpu.memory_space<vmem>>) target(%dma_start3A_95 : memref<128x128xf32, #tpu.memory_space<hbm>>) target_semaphore(%arg29 : memref<!tpu.dma_semaphore, #tpu.memory_space<semaphore_mem>>)
    %add3A_96 = arith.constant 0 : i32
    %add3A_97 = arith.addi %mul3A_5, %add3A_96 : i32
    %dma_start3A_98 = arith.constant 0 : i32
    %dma_start3A_99 = tpu.memref_slice %arg8[%add3A_97, %dma_start3A_98] : memref<16384x128xf32, #tpu.memory_space<hbm>> -> memref<128x128xf32, #tpu.memory_space<hbm>>
    %dma_start3A_100 = arith.constant 0 : i32
    %dma_start3A_101 = tpu.memref_slice %arg8[%add3A_97, %dma_start3A_100] : memref<16384x128xf32, #tpu.memory_space<hbm>> -> memref<128x128xf32, #tpu.memory_space<hbm>>
    tpu.enqueue_dma source(%arg18 : memref<128x128xf32, #tpu.memory_space<vmem>>) target(%dma_start3A_101 : memref<128x128xf32, #tpu.memory_space<hbm>>) target_semaphore(%arg33 : memref<!tpu.dma_semaphore, #tpu.memory_space<semaphore_mem>>)
    %dma_start3A_102 = arith.constant 256 : i32
    %dma_start3A_103 = tpu.memref_slice %arg10[%dma_start3A_102] : memref<512xi32, #tpu.memory_space<vmem>> -> memref<128xi32, #tpu.memory_space<vmem>>
    %dma_start3A_104 = arith.constant 0 : i32
    %dma_start3A_105 = arith.constant 0 : i32
    %dma_start3A_106 = tpu.memref_slice %arg4[%dma_start3A_104, %dma_start3A_105] : memref<100000x128xf32, #tpu.memory_space<hbm>> -> memref<100000x128xf32, #tpu.memory_space<hbm>>
    tpu.enqueue_indirect_dma source(%dma_start3A_106 : memref<100000x128xf32, #tpu.memory_space<hbm>>) target(%arg17 : memref<128x128xf32, #tpu.memory_space<vmem>>) offsets(%dma_start3A_103 : memref<128xi32, #tpu.memory_space<vmem>>) semaphore(%arg23 : memref<!tpu.dma_semaphore, #tpu.memory_space<semaphore_mem>>)
    %dma_start3A_107 = arith.constant 256 : i32
    %dma_start3A_108 = tpu.memref_slice %arg11[%dma_start3A_107] : memref<512xi32, #tpu.memory_space<vmem>> -> memref<128xi32, #tpu.memory_space<vmem>>
    %dma_start3A_109 = arith.constant 0 : i32
    %dma_start3A_110 = arith.constant 0 : i32
    %dma_start3A_111 = tpu.memref_slice %arg4[%dma_start3A_109, %dma_start3A_110] : memref<100000x128xf32, #tpu.memory_space<hbm>> -> memref<100000x128xf32, #tpu.memory_space<hbm>>
    tpu.enqueue_indirect_dma source(%dma_start3A_111 : memref<100000x128xf32, #tpu.memory_space<hbm>>) target(%arg20 : memref<128x128xf32, #tpu.memory_space<vmem>>) offsets(%dma_start3A_108 : memref<128xi32, #tpu.memory_space<vmem>>) semaphore(%arg27 : memref<!tpu.dma_semaphore, #tpu.memory_space<semaphore_mem>>)
    %scan3A = arith.constant 0 : i32
    %scan3A_112 = arith.constant 0 : i32
    %scan3A_113 = arith.constant 8 : i32
    %scan3A_114 = arith.addi %scan3A_112, %scan3A_113 : i32
    %scan3A_115 = arith.constant 1 : i32
    scf.for %scan3A_251 = %scan3A_112 to %scan3A_114 step %scan3A_115  : i32 {
      %mul3A_252 = arith.constant 16 : i32
      %mul3A_253 = arith.muli %scan3A_251, %mul3A_252 : i32
      %scan3A_254 = arith.constant 0 : i32
      %scan3A_255 = arith.constant 0 : i32
      %scan3A_256 = arith.constant 16 : i32
      %scan3A_257 = arith.addi %scan3A_255, %scan3A_256 : i32
      %scan3A_258 = arith.constant 1 : i32
      scf.for %scan3A_346 = %scan3A_255 to %scan3A_257 step %scan3A_258  : i32 {
        %add3A_347 = arith.addi %mul3A_253, %scan3A_346 : i32
        %get3A_348 = arith.index_cast %add3A_347 : i32 to index
        %get3A_349 = arith.constant 0 : index
        %get3A_350 = tpu.vector_load %arg15[%get3A_348, %get3A_349] {strides = array<i32>} : memref<128x128xf32, #tpu.memory_space<vmem>>, vector<16xf32>,
        %get3A_351 = arith.index_cast %add3A_347 : i32 to index
        %get3A_352 = arith.constant 0 : index
        %get3A_353 = tpu.vector_load %arg18[%get3A_351, %get3A_352] {strides = array<i32>} : memref<128x128xf32, #tpu.memory_space<vmem>>, vector<16xf32>,
        %mul3A_354 = arith.mulf %get3A_350, %get3A_353 : vector<16xf32>
        %get3A_355 = arith.index_cast %add3A_347 : i32 to index
        %get3A_356 = arith.constant 16 : index
        %get3A_357 = tpu.vector_load %arg15[%get3A_355, %get3A_356] {strides = array<i32>} : memref<128x128xf32, #tpu.memory_space<vmem>>, vector<16xf32>,
        %get3A_358 = arith.index_cast %add3A_347 : i32 to index
        %get3A_359 = arith.constant 16 : index
        %get3A_360 = tpu.vector_load %arg18[%get3A_358, %get3A_359] {strides = array<i32>} : memref<128x128xf32, #tpu.memory_space<vmem>>, vector<16xf32>,
        %mul3A_361 = arith.mulf %get3A_357, %get3A_360 : vector<16xf32>
        %add3A_362 = arith.addf %mul3A_354, %mul3A_361 : vector<16xf32>
        %get3A_363 = arith.index_cast %add3A_347 : i32 to index
        %get3A_364 = arith.constant 32 : index
        %get3A_365 = tpu.vector_load %arg15[%get3A_363, %get3A_364] {strides = array<i32>} : memref<128x128xf32, #tpu.memory_space<vmem>>, vector<16xf32>,
        %get3A_366 = arith.index_cast %add3A_347 : i32 to index
        %get3A_367 = arith.constant 32 : index
        %get3A_368 = tpu.vector_load %arg18[%get3A_366, %get3A_367] {strides = array<i32>} : memref<128x128xf32, #tpu.memory_space<vmem>>, vector<16xf32>,
        %mul3A_369 = arith.mulf %get3A_365, %get3A_368 : vector<16xf32>
        %add3A_370 = arith.addf %add3A_362, %mul3A_369 : vector<16xf32>
        %get3A_371 = arith.index_cast %add3A_347 : i32 to index
        %get3A_372 = arith.constant 48 : index
        %get3A_373 = tpu.vector_load %arg15[%get3A_371, %get3A_372] {strides = array<i32>} : memref<128x128xf32, #tpu.memory_space<vmem>>, vector<16xf32>,
        %get3A_374 = arith.index_cast %add3A_347 : i32 to index
        %get3A_375 = arith.constant 48 : index
        %get3A_376 = tpu.vector_load %arg18[%get3A_374, %get3A_375] {strides = array<i32>} : memref<128x128xf32, #tpu.memory_space<vmem>>, vector<16xf32>,
        %mul3A_377 = arith.mulf %get3A_373, %get3A_376 : vector<16xf32>
        %add3A_378 = arith.addf %add3A_370, %mul3A_377 : vector<16xf32>
        %get3A_379 = arith.index_cast %add3A_347 : i32 to index
        %get3A_380 = arith.constant 64 : index
        %get3A_381 = tpu.vector_load %arg15[%get3A_379, %get3A_380] {strides = array<i32>} : memref<128x128xf32, #tpu.memory_space<vmem>>, vector<16xf32>,
        %get3A_382 = arith.index_cast %add3A_347 : i32 to index
        %get3A_383 = arith.constant 64 : index
        %get3A_384 = tpu.vector_load %arg18[%get3A_382, %get3A_383] {strides = array<i32>} : memref<128x128xf32, #tpu.memory_space<vmem>>, vector<16xf32>,
        %mul3A_385 = arith.mulf %get3A_381, %get3A_384 : vector<16xf32>
        %add3A_386 = arith.addf %add3A_378, %mul3A_385 : vector<16xf32>
        %get3A_387 = arith.index_cast %add3A_347 : i32 to index
        %get3A_388 = arith.constant 80 : index
        %get3A_389 = tpu.vector_load %arg15[%get3A_387, %get3A_388] {strides = array<i32>} : memref<128x128xf32, #tpu.memory_space<vmem>>, vector<16xf32>,
        %get3A_390 = arith.index_cast %add3A_347 : i32 to index
        %get3A_391 = arith.constant 80 : index
        %get3A_392 = tpu.vector_load %arg18[%get3A_390, %get3A_391] {strides = array<i32>} : memref<128x128xf32, #tpu.memory_space<vmem>>, vector<16xf32>,
        %mul3A_393 = arith.mulf %get3A_389, %get3A_392 : vector<16xf32>
        %add3A_394 = arith.addf %add3A_386, %mul3A_393 : vector<16xf32>
        %get3A_395 = arith.index_cast %add3A_347 : i32 to index
        %get3A_396 = arith.constant 96 : index
        %get3A_397 = tpu.vector_load %arg15[%get3A_395, %get3A_396] {strides = array<i32>} : memref<128x128xf32, #tpu.memory_space<vmem>>, vector<16xf32>,
        %get3A_398 = arith.index_cast %add3A_347 : i32 to index
        %get3A_399 = arith.constant 96 : index
        %get3A_400 = tpu.vector_load %arg18[%get3A_398, %get3A_399] {strides = array<i32>} : memref<128x128xf32, #tpu.memory_space<vmem>>, vector<16xf32>,
        %mul3A_401 = arith.mulf %get3A_397, %get3A_400 : vector<16xf32>
        %add3A_402 = arith.addf %add3A_394, %mul3A_401 : vector<16xf32>
        %get3A_403 = arith.index_cast %add3A_347 : i32 to index
        %get3A_404 = arith.constant 112 : index
        %get3A_405 = tpu.vector_load %arg15[%get3A_403, %get3A_404] {strides = array<i32>} : memref<128x128xf32, #tpu.memory_space<vmem>>, vector<16xf32>,
        %get3A_406 = arith.index_cast %add3A_347 : i32 to index
        %get3A_407 = arith.constant 112 : index
        %get3A_408 = tpu.vector_load %arg18[%get3A_406, %get3A_407] {strides = array<i32>} : memref<128x128xf32, #tpu.memory_space<vmem>>, vector<16xf32>,
        %mul3A_409 = arith.mulf %get3A_405, %get3A_408 : vector<16xf32>
        %add3A_410 = arith.addf %add3A_402, %mul3A_409 : vector<16xf32>
        %mul3A_411 = arith.constant 16 : i32
        %mul3A_412 = arith.muli %scan3A_346, %mul3A_411 : i32
        %swap3A_413 = arith.index_cast %mul3A_412 : i32 to index
        %swap3A_414 = tpu.vector_load %arg14[%swap3A_413] {strides = array<i32>} : memref<256xf32, #tpu.memory_space<vmem>>, vector<16xf32>,
        tpu.vector_store %arg14[%swap3A_413], %add3A_410 {strides = array<i32>} : memref<256xf32, #tpu.memory_space<vmem>>, vector<16xf32>,
      }
      %scan3A_259 = arith.constant 16 : i32
      %gather3A = tpu.vector_load_idx %arg14[%mul3A_3] : memref<256xf32, #tpu.memory_space<vmem>>[vector<16xi32>], vector<16xf32>,
      %add3A_260 = arith.constant 1 : i32
      %add3A_261 = vector.broadcast %add3A_260 : i32 to vector<16xi32>
      %add3A_262 = arith.addi %mul3A_3, %add3A_261 : vector<16xi32>
      %gather3A_263 = tpu.vector_load_idx %arg14[%add3A_262] : memref<256xf32, #tpu.memory_space<vmem>>[vector<16xi32>], vector<16xf32>,
      %add3A_264 = arith.addf %gather3A, %gather3A_263 : vector<16xf32>
      %add3A_265 = arith.constant 2 : i32
      %add3A_266 = vector.broadcast %add3A_265 : i32 to vector<16xi32>
      %add3A_267 = arith.addi %mul3A_3, %add3A_266 : vector<16xi32>
      %gather3A_268 = tpu.vector_load_idx %arg14[%add3A_267] : memref<256xf32, #tpu.memory_space<vmem>>[vector<16xi32>], vector<16xf32>,
      %add3A_269 = arith.addf %add3A_264, %gather3A_268 : vector<16xf32>
      %add3A_270 = arith.constant 3 : i32
      %add3A_271 = vector.broadcast %add3A_270 : i32 to vector<16xi32>
      %add3A_272 = arith.addi %mul3A_3, %add3A_271 : vector<16xi32>
      %gather3A_273 = tpu.vector_load_idx %arg14[%add3A_272] : memref<256xf32, #tpu.memory_space<vmem>>[vector<16xi32>], vector<16xf32>,
      %add3A_274 = arith.addf %add3A_269, %gather3A_273 : vector<16xf32>
      %add3A_275 = arith.constant 4 : i32
      %add3A_276 = vector.broadcast %add3A_275 : i32 to vector<16xi32>
      %add3A_277 = arith.addi %mul3A_3, %add3A_276 : vector<16xi32>
      %gather3A_278 = tpu.vector_load_idx %arg14[%add3A_277] : memref<256xf32, #tpu.memory_space<vmem>>[vector<16xi32>], vector<16xf32>,
      %add3A_279 = arith.addf %add3A_274, %gather3A_278 : vector<16xf32>
      %add3A_280 = arith.constant 5 : i32
      %add3A_281 = vector.broadcast %add3A_280 : i32 to vector<16xi32>
      %add3A_282 = arith.addi %mul3A_3, %add3A_281 : vector<16xi32>
      %gather3A_283 = tpu.vector_load_idx %arg14[%add3A_282] : memref<256xf32, #tpu.memory_space<vmem>>[vector<16xi32>], vector<16xf32>,
      %add3A_284 = arith.addf %add3A_279, %gather3A_283 : vector<16xf32>
      %add3A_285 = arith.constant 6 : i32
      %add3A_286 = vector.broadcast %add3A_285 : i32 to vector<16xi32>
      %add3A_287 = arith.addi %mul3A_3, %add3A_286 : vector<16xi32>
      %gather3A_288 = tpu.vector_load_idx %arg14[%add3A_287] : memref<256xf32, #tpu.memory_space<vmem>>[vector<16xi32>], vector<16xf32>,
      %add3A_289 = arith.addf %add3A_284, %gather3A_288 : vector<16xf32>
      %add3A_290 = arith.constant 7 : i32
      %add3A_291 = vector.broadcast %add3A_290 : i32 to vector<16xi32>
      %add3A_292 = arith.addi %mul3A_3, %add3A_291 : vector<16xi32>
      %gather3A_293 = tpu.vector_load_idx %arg14[%add3A_292] : memref<256xf32, #tpu.memory_space<vmem>>[vector<16xi32>], vector<16xf32>,
      %add3A_294 = arith.addf %add3A_289, %gather3A_293 : vector<16xf32>
      %add3A_295 = arith.constant 8 : i32
      %add3A_296 = vector.broadcast %add3A_295 : i32 to vector<16xi32>
      %add3A_297 = arith.addi %mul3A_3, %add3A_296 : vector<16xi32>
      %gather3A_298 = tpu.vector_load_idx %arg14[%add3A_297] : memref<256xf32, #tpu.memory_space<vmem>>[vector<16xi32>], vector<16xf32>,
      %add3A_299 = arith.addf %add3A_294, %gather3A_298 : vector<16xf32>
      %add3A_300 = arith.constant 9 : i32
      %add3A_301 = vector.broadcast %add3A_300 : i32 to vector<16xi32>
      %add3A_302 = arith.addi %mul3A_3, %add3A_301 : vector<16xi32>
      %gather3A_303 = tpu.vector_load_idx %arg14[%add3A_302] : memref<256xf32, #tpu.memory_space<vmem>>[vector<16xi32>], vector<16xf32>,
      %add3A_304 = arith.addf %add3A_299, %gather3A_303 : vector<16xf32>
      %add3A_305 = arith.constant 10 : i32
      %add3A_306 = vector.broadcast %add3A_305 : i32 to vector<16xi32>
      %add3A_307 = arith.addi %mul3A_3, %add3A_306 : vector<16xi32>
      %gather3A_308 = tpu.vector_load_idx %arg14[%add3A_307] : memref<256xf32, #tpu.memory_space<vmem>>[vector<16xi32>], vector<16xf32>,
      %add3A_309 = arith.addf %add3A_304, %gather3A_308 : vector<16xf32>
      %add3A_310 = arith.constant 11 : i32
      %add3A_311 = vector.broadcast %add3A_310 : i32 to vector<16xi32>
      %add3A_312 = arith.addi %mul3A_3, %add3A_311 : vector<16xi32>
      %gather3A_313 = tpu.vector_load_idx %arg14[%add3A_312] : memref<256xf32, #tpu.memory_space<vmem>>[vector<16xi32>], vector<16xf32>,
      %add3A_314 = arith.addf %add3A_309, %gather3A_313 : vector<16xf32>
      %add3A_315 = arith.constant 12 : i32
      %add3A_316 = vector.broadcast %add3A_315 : i32 to vector<16xi32>
      %add3A_317 = arith.addi %mul3A_3, %add3A_316 : vector<16xi32>
      %gather3A_318 = tpu.vector_load_idx %arg14[%add3A_317] : memref<256xf32, #tpu.memory_space<vmem>>[vector<16xi32>], vector<16xf32>,
      %add3A_319 = arith.addf %add3A_314, %gather3A_318 : vector<16xf32>
      %add3A_320 = arith.constant 13 : i32
      %add3A_321 = vector.broadcast %add3A_320 : i32 to vector<16xi32>
      %add3A_322 = arith.addi %mul3A_3, %add3A_321 : vector<16xi32>
      %gather3A_323 = tpu.vector_load_idx %arg14[%add3A_322] : memref<256xf32, #tpu.memory_space<vmem>>[vector<16xi32>], vector<16xf32>,
      %add3A_324 = arith.addf %add3A_319, %gather3A_323 : vector<16xf32>
      %add3A_325 = arith.constant 14 : i32
      %add3A_326 = vector.broadcast %add3A_325 : i32 to vector<16xi32>
      %add3A_327 = arith.addi %mul3A_3, %add3A_326 : vector<16xi32>
      %gather3A_328 = tpu.vector_load_idx %arg14[%add3A_327] : memref<256xf32, #tpu.memory_space<vmem>>[vector<16xi32>], vector<16xf32>,
      %add3A_329 = arith.addf %add3A_324, %gather3A_328 : vector<16xf32>
      %add3A_330 = arith.constant 15 : i32
      %add3A_331 = vector.broadcast %add3A_330 : i32 to vector<16xi32>
      %add3A_332 = arith.addi %mul3A_3, %add3A_331 : vector<16xi32>
      %gather3A_333 = tpu.vector_load_idx %arg14[%add3A_332] : memref<256xf32, #tpu.memory_space<vmem>>[vector<16xi32>], vector<16xf32>,
      %add3A_334 = arith.addf %add3A_329, %gather3A_333 : vector<16xf32>
      %add3A_335 = arith.constant 0 : i32
      %add3A_336 = arith.addi %add3A_335, %mul3A_253 : i32
      %get3A = arith.index_cast %add3A_336 : i32 to index
      %get3A_337 = tpu.vector_load %arg12[%get3A] {strides = array<i32>} : memref<512xf32, #tpu.memory_space<vmem>>, vector<16xf32>,
      %add3A_338 = arith.addf %add3A_334, %get3A_337 : vector<16xf32>
      %max3A = arith.constant -1.000000e+01 : f32
      %max3A_339 = vector.broadcast %max3A : f32 to vector<16xf32>
      %max3A_340 = arith.maximumf %add3A_338, %max3A_339 : vector<16xf32>
      %min3A = arith.constant 1.000000e+01 : f32
      %min3A_341 = vector.broadcast %min3A : f32 to vector<16xf32>
      %min3A_342 = arith.minimumf %max3A_340, %min3A_341 : vector<16xf32>
      %add3A_343 = arith.constant 0 : i32
      %add3A_344 = arith.addi %add3A_343, %mul3A_253 : i32
      %swap3A = arith.index_cast %add3A_344 : i32 to index
      %swap3A_345 = tpu.vector_load %arg13[%swap3A] {strides = array<i32>} : memref<512xf32, #tpu.memory_space<vmem>>, vector<16xf32>,
      tpu.vector_store %arg13[%swap3A], %min3A_342 {strides = array<i32>} : memref<512xf32, #tpu.memory_space<vmem>>, vector<16xf32>,
    }
    %scan3A_116 = arith.constant 8 : i32
    %dma_wait3A_117 = arith.constant 128 : i32
    %dma_wait3A_118 = tpu.memref_slice %arg10[%dma_wait3A_117] : memref<512xi32, #tpu.memory_space<vmem>> -> memref<128xi32, #tpu.memory_space<vmem>>
    %dma_wait3A_119 = arith.constant 0 : i32
    %dma_wait3A_120 = arith.constant 0 : i32
    %dma_wait3A_121 = tpu.memref_slice %arg4[%dma_wait3A_119, %dma_wait3A_120] : memref<100000x128xf32, #tpu.memory_space<hbm>> -> memref<100000x128xf32, #tpu.memory_space<hbm>>
    tpu.wait_indirect_dma semaphore(%arg22 : memref<!tpu.dma_semaphore, #tpu.memory_space<semaphore_mem>>) src(%dma_wait3A_121 : memref<100000x128xf32, #tpu.memory_space<hbm>>) dst(%arg16 : memref<128x128xf32, #tpu.memory_space<vmem>>)
    %dma_wait3A_122 = arith.constant 128 : i32
    %dma_wait3A_123 = tpu.memref_slice %arg11[%dma_wait3A_122] : memref<512xi32, #tpu.memory_space<vmem>> -> memref<128xi32, #tpu.memory_space<vmem>>
    %dma_wait3A_124 = arith.constant 0 : i32
    %dma_wait3A_125 = arith.constant 0 : i32
    %dma_wait3A_126 = tpu.memref_slice %arg4[%dma_wait3A_124, %dma_wait3A_125] : memref<100000x128xf32, #tpu.memory_space<hbm>> -> memref<100000x128xf32, #tpu.memory_space<hbm>>
    tpu.wait_indirect_dma semaphore(%arg26 : memref<!tpu.dma_semaphore, #tpu.memory_space<semaphore_mem>>) src(%dma_wait3A_126 : memref<100000x128xf32, #tpu.memory_space<hbm>>) dst(%arg19 : memref<128x128xf32, #tpu.memory_space<vmem>>)
    %add3A_127 = arith.constant 128 : i32
    %add3A_128 = arith.addi %mul3A_5, %add3A_127 : i32
    %dma_start3A_129 = arith.constant 0 : i32
    %dma_start3A_130 = tpu.memref_slice %arg7[%add3A_128, %dma_start3A_129] : memref<16384x128xf32, #tpu.memory_space<hbm>> -> memref<128x128xf32, #tpu.memory_space<hbm>>
    %dma_start3A_131 = arith.constant 0 : i32
    %dma_start3A_132 = tpu.memref_slice %arg7[%add3A_128, %dma_start3A_131] : memref<16384x128xf32, #tpu.memory_space<hbm>> -> memref<128x128xf32, #tpu.memory_space<hbm>>
    tpu.enqueue_dma source(%arg16 : memref<128x128xf32, #tpu.memory_space<vmem>>) target(%dma_start3A_132 : memref<128x128xf32, #tpu.memory_space<hbm>>) target_semaphore(%arg30 : memref<!tpu.dma_semaphore, #tpu.memory_space<semaphore_mem>>)
    %add3A_133 = arith.constant 128 : i32
    %add3A_134 = arith.addi %mul3A_5, %add3A_133 : i32
    %dma_start3A_135 = arith.constant 0 : i32
    %dma_start3A_136 = tpu.memref_slice %arg8[%add3A_134, %dma_start3A_135] : memref<16384x128xf32, #tpu.memory_space<hbm>> -> memref<128x128xf32, #tpu.memory_space<hbm>>
    %dma_start3A_137 = arith.constant 0 : i32
    %dma_start3A_138 = tpu.memref_slice %arg8[%add3A_134, %dma_start3A_137] : memref<16384x128xf32, #tpu.memory_space<hbm>> -> memref<128x128xf32, #tpu.memory_space<hbm>>
    tpu.enqueue_dma source(%arg19 : memref<128x128xf32, #tpu.memory_space<vmem>>) target(%dma_start3A_138 : memref<128x128xf32, #tpu.memory_space<hbm>>) target_semaphore(%arg34 : memref<!tpu.dma_semaphore, #tpu.memory_space<semaphore_mem>>)
    %dma_wait3A_139 = arith.constant 0 : i32
    %dma_wait3A_140 = tpu.memref_slice %arg7[%add3A_91, %dma_wait3A_139] : memref<16384x128xf32, #tpu.memory_space<hbm>> -> memref<128x128xf32, #tpu.memory_space<hbm>>
    %dma_wait3A_141 = arith.constant 0 : i32
    %dma_wait3A_142 = tpu.memref_slice %arg7[%add3A_91, %dma_wait3A_141] : memref<16384x128xf32, #tpu.memory_space<hbm>> -> memref<128x128xf32, #tpu.memory_space<hbm>>
    tpu.wait_dma2 semaphore(%arg29 : memref<!tpu.dma_semaphore, #tpu.memory_space<semaphore_mem>>) src(%arg15 : memref<128x128xf32, #tpu.memory_space<vmem>>) dst(%dma_wait3A_142 : memref<128x128xf32, #tpu.memory_space<hbm>>)
    %dma_wait3A_143 = arith.constant 0 : i32
    %dma_wait3A_144 = tpu.memref_slice %arg8[%add3A_97, %dma_wait3A_143] : memref<16384x128xf32, #tpu.memory_space<hbm>> -> memref<128x128xf32, #tpu.memory_space<hbm>>
    %dma_wait3A_145 = arith.constant 0 : i32
    %dma_wait3A_146 = tpu.memref_slice %arg8[%add3A_97, %dma_wait3A_145] : memref<16384x128xf32, #tpu.memory_space<hbm>> -> memref<128x128xf32, #tpu.memory_space<hbm>>
    tpu.wait_dma2 semaphore(%arg33 : memref<!tpu.dma_semaphore, #tpu.memory_space<semaphore_mem>>) src(%arg18 : memref<128x128xf32, #tpu.memory_space<vmem>>) dst(%dma_wait3A_146 : memref<128x128xf32, #tpu.memory_space<hbm>>)
    %dma_start3A_147 = arith.constant 384 : i32
    %dma_start3A_148 = tpu.memref_slice %arg10[%dma_start3A_147] : memref<512xi32, #tpu.memory_space<vmem>> -> memref<128xi32, #tpu.memory_space<vmem>>
    %dma_start3A_149 = arith.constant 0 : i32
    %dma_start3A_150 = arith.constant 0 : i32
    %dma_start3A_151 = tpu.memref_slice %arg4[%dma_start3A_149, %dma_start3A_150] : memref<100000x128xf32, #tpu.memory_space<hbm>> -> memref<100000x128xf32, #tpu.memory_space<hbm>>
    tpu.enqueue_indirect_dma source(%dma_start3A_151 : memref<100000x128xf32, #tpu.memory_space<hbm>>) target(%arg15 : memref<128x128xf32, #tpu.memory_space<vmem>>) offsets(%dma_start3A_148 : memref<128xi32, #tpu.memory_space<vmem>>) semaphore(%arg24 : memref<!tpu.dma_semaphore, #tpu.memory_space<semaphore_mem>>)
    %dma_start3A_152 = arith.constant 384 : i32
    %dma_start3A_153 = tpu.memref_slice %arg11[%dma_start3A_152] : memref<512xi32, #tpu.memory_space<vmem>> -> memref<128xi32, #tpu.memory_space<vmem>>
    %dma_start3A_154 = arith.constant 0 : i32
    %dma_start3A_155 = arith.constant 0 : i32
    %dma_start3A_156 = tpu.memref_slice %arg4[%dma_start3A_154, %dma_start3A_155] : memref<100000x128xf32, #tpu.memory_space<hbm>> -> memref<100000x128xf32, #tpu.memory_space<hbm>>
    tpu.enqueue_indirect_dma source(%dma_start3A_156 : memref<100000x128xf32, #tpu.memory_space<hbm>>) target(%arg18 : memref<128x128xf32, #tpu.memory_space<vmem>>) offsets(%dma_start3A_153 : memref<128xi32, #tpu.memory_space<vmem>>) semaphore(%arg28 : memref<!tpu.dma_semaphore, #tpu.memory_space<semaphore_mem>>)
    %scan3A_157 = arith.constant 0 : i32
    %scan3A_158 = arith.constant 0 : i32
    %scan3A_159 = arith.constant 8 : i32
    %scan3A_160 = arith.addi %scan3A_158, %scan3A_159 : i32
    %scan3A_161 = arith.constant 1 : i32
    scf.for %scan3A_251 = %scan3A_158 to %scan3A_160 step %scan3A_161  : i32 {
      %mul3A_252 = arith.constant 16 : i32
      %mul3A_253 = arith.muli %scan3A_251, %mul3A_252 : i32
      %scan3A_254 = arith.constant 0 : i32
      %scan3A_255 = arith.constant 0 : i32
      %scan3A_256 = arith.constant 16 : i32
      %scan3A_257 = arith.addi %scan3A_255, %scan3A_256 : i32
      %scan3A_258 = arith.constant 1 : i32
      scf.for %scan3A_346 = %scan3A_255 to %scan3A_257 step %scan3A_258  : i32 {
        %add3A_347 = arith.addi %mul3A_253, %scan3A_346 : i32
        %get3A_348 = arith.index_cast %add3A_347 : i32 to index
        %get3A_349 = arith.constant 0 : index
        %get3A_350 = tpu.vector_load %arg16[%get3A_348, %get3A_349] {strides = array<i32>} : memref<128x128xf32, #tpu.memory_space<vmem>>, vector<16xf32>,
        %get3A_351 = arith.index_cast %add3A_347 : i32 to index
        %get3A_352 = arith.constant 0 : index
        %get3A_353 = tpu.vector_load %arg19[%get3A_351, %get3A_352] {strides = array<i32>} : memref<128x128xf32, #tpu.memory_space<vmem>>, vector<16xf32>,
        %mul3A_354 = arith.mulf %get3A_350, %get3A_353 : vector<16xf32>
        %get3A_355 = arith.index_cast %add3A_347 : i32 to index
        %get3A_356 = arith.constant 16 : index
        %get3A_357 = tpu.vector_load %arg16[%get3A_355, %get3A_356] {strides = array<i32>} : memref<128x128xf32, #tpu.memory_space<vmem>>, vector<16xf32>,
        %get3A_358 = arith.index_cast %add3A_347 : i32 to index
        %get3A_359 = arith.constant 16 : index
        %get3A_360 = tpu.vector_load %arg19[%get3A_358, %get3A_359] {strides = array<i32>} : memref<128x128xf32, #tpu.memory_space<vmem>>, vector<16xf32>,
        %mul3A_361 = arith.mulf %get3A_357, %get3A_360 : vector<16xf32>
        %add3A_362 = arith.addf %mul3A_354, %mul3A_361 : vector<16xf32>
        %get3A_363 = arith.index_cast %add3A_347 : i32 to index
        %get3A_364 = arith.constant 32 : index
        %get3A_365 = tpu.vector_load %arg16[%get3A_363, %get3A_364] {strides = array<i32>} : memref<128x128xf32, #tpu.memory_space<vmem>>, vector<16xf32>,
        %get3A_366 = arith.index_cast %add3A_347 : i32 to index
        %get3A_367 = arith.constant 32 : index
        %get3A_368 = tpu.vector_load %arg19[%get3A_366, %get3A_367] {strides = array<i32>} : memref<128x128xf32, #tpu.memory_space<vmem>>, vector<16xf32>,
        %mul3A_369 = arith.mulf %get3A_365, %get3A_368 : vector<16xf32>
        %add3A_370 = arith.addf %add3A_362, %mul3A_369 : vector<16xf32>
        %get3A_371 = arith.index_cast %add3A_347 : i32 to index
        %get3A_372 = arith.constant 48 : index
        %get3A_373 = tpu.vector_load %arg16[%get3A_371, %get3A_372] {strides = array<i32>} : memref<128x128xf32, #tpu.memory_space<vmem>>, vector<16xf32>,
        %get3A_374 = arith.index_cast %add3A_347 : i32 to index
        %get3A_375 = arith.constant 48 : index
        %get3A_376 = tpu.vector_load %arg19[%get3A_374, %get3A_375] {strides = array<i32>} : memref<128x128xf32, #tpu.memory_space<vmem>>, vector<16xf32>,
        %mul3A_377 = arith.mulf %get3A_373, %get3A_376 : vector<16xf32>
        %add3A_378 = arith.addf %add3A_370, %mul3A_377 : vector<16xf32>
        %get3A_379 = arith.index_cast %add3A_347 : i32 to index
        %get3A_380 = arith.constant 64 : index
        %get3A_381 = tpu.vector_load %arg16[%get3A_379, %get3A_380] {strides = array<i32>} : memref<128x128xf32, #tpu.memory_space<vmem>>, vector<16xf32>,
        %get3A_382 = arith.index_cast %add3A_347 : i32 to index
        %get3A_383 = arith.constant 64 : index
        %get3A_384 = tpu.vector_load %arg19[%get3A_382, %get3A_383] {strides = array<i32>} : memref<128x128xf32, #tpu.memory_space<vmem>>, vector<16xf32>,
        %mul3A_385 = arith.mulf %get3A_381, %get3A_384 : vector<16xf32>
        %add3A_386 = arith.addf %add3A_378, %mul3A_385 : vector<16xf32>
        %get3A_387 = arith.index_cast %add3A_347 : i32 to index
        %get3A_388 = arith.constant 80 : index
        %get3A_389 = tpu.vector_load %arg16[%get3A_387, %get3A_388] {strides = array<i32>} : memref<128x128xf32, #tpu.memory_space<vmem>>, vector<16xf32>,
        %get3A_390 = arith.index_cast %add3A_347 : i32 to index
        %get3A_391 = arith.constant 80 : index
        %get3A_392 = tpu.vector_load %arg19[%get3A_390, %get3A_391] {strides = array<i32>} : memref<128x128xf32, #tpu.memory_space<vmem>>, vector<16xf32>,
        %mul3A_393 = arith.mulf %get3A_389, %get3A_392 : vector<16xf32>
        %add3A_394 = arith.addf %add3A_386, %mul3A_393 : vector<16xf32>
        %get3A_395 = arith.index_cast %add3A_347 : i32 to index
        %get3A_396 = arith.constant 96 : index
        %get3A_397 = tpu.vector_load %arg16[%get3A_395, %get3A_396] {strides = array<i32>} : memref<128x128xf32, #tpu.memory_space<vmem>>, vector<16xf32>,
        %get3A_398 = arith.index_cast %add3A_347 : i32 to index
        %get3A_399 = arith.constant 96 : index
        %get3A_400 = tpu.vector_load %arg19[%get3A_398, %get3A_399] {strides = array<i32>} : memref<128x128xf32, #tpu.memory_space<vmem>>, vector<16xf32>,
        %mul3A_401 = arith.mulf %get3A_397, %get3A_400 : vector<16xf32>
        %add3A_402 = arith.addf %add3A_394, %mul3A_401 : vector<16xf32>
        %get3A_403 = arith.index_cast %add3A_347 : i32 to index
        %get3A_404 = arith.constant 112 : index
        %get3A_405 = tpu.vector_load %arg16[%get3A_403, %get3A_404] {strides = array<i32>} : memref<128x128xf32, #tpu.memory_space<vmem>>, vector<16xf32>,
        %get3A_406 = arith.index_cast %add3A_347 : i32 to index
        %get3A_407 = arith.constant 112 : index
        %get3A_408 = tpu.vector_load %arg19[%get3A_406, %get3A_407] {strides = array<i32>} : memref<128x128xf32, #tpu.memory_space<vmem>>, vector<16xf32>,
        %mul3A_409 = arith.mulf %get3A_405, %get3A_408 : vector<16xf32>
        %add3A_410 = arith.addf %add3A_402, %mul3A_409 : vector<16xf32>
        %mul3A_411 = arith.constant 16 : i32
        %mul3A_412 = arith.muli %scan3A_346, %mul3A_411 : i32
        %swap3A_413 = arith.index_cast %mul3A_412 : i32 to index
        %swap3A_414 = tpu.vector_load %arg14[%swap3A_413] {strides = array<i32>} : memref<256xf32, #tpu.memory_space<vmem>>, vector<16xf32>,
        tpu.vector_store %arg14[%swap3A_413], %add3A_410 {strides = array<i32>} : memref<256xf32, #tpu.memory_space<vmem>>, vector<16xf32>,
      }
      %scan3A_259 = arith.constant 16 : i32
      %gather3A = tpu.vector_load_idx %arg14[%mul3A_3] : memref<256xf32, #tpu.memory_space<vmem>>[vector<16xi32>], vector<16xf32>,
      %add3A_260 = arith.constant 1 : i32
      %add3A_261 = vector.broadcast %add3A_260 : i32 to vector<16xi32>
      %add3A_262 = arith.addi %mul3A_3, %add3A_261 : vector<16xi32>
      %gather3A_263 = tpu.vector_load_idx %arg14[%add3A_262] : memref<256xf32, #tpu.memory_space<vmem>>[vector<16xi32>], vector<16xf32>,
      %add3A_264 = arith.addf %gather3A, %gather3A_263 : vector<16xf32>
      %add3A_265 = arith.constant 2 : i32
      %add3A_266 = vector.broadcast %add3A_265 : i32 to vector<16xi32>
      %add3A_267 = arith.addi %mul3A_3, %add3A_266 : vector<16xi32>
      %gather3A_268 = tpu.vector_load_idx %arg14[%add3A_267] : memref<256xf32, #tpu.memory_space<vmem>>[vector<16xi32>], vector<16xf32>,
      %add3A_269 = arith.addf %add3A_264, %gather3A_268 : vector<16xf32>
      %add3A_270 = arith.constant 3 : i32
      %add3A_271 = vector.broadcast %add3A_270 : i32 to vector<16xi32>
      %add3A_272 = arith.addi %mul3A_3, %add3A_271 : vector<16xi32>
      %gather3A_273 = tpu.vector_load_idx %arg14[%add3A_272] : memref<256xf32, #tpu.memory_space<vmem>>[vector<16xi32>], vector<16xf32>,
      %add3A_274 = arith.addf %add3A_269, %gather3A_273 : vector<16xf32>
      %add3A_275 = arith.constant 4 : i32
      %add3A_276 = vector.broadcast %add3A_275 : i32 to vector<16xi32>
      %add3A_277 = arith.addi %mul3A_3, %add3A_276 : vector<16xi32>
      %gather3A_278 = tpu.vector_load_idx %arg14[%add3A_277] : memref<256xf32, #tpu.memory_space<vmem>>[vector<16xi32>], vector<16xf32>,
      %add3A_279 = arith.addf %add3A_274, %gather3A_278 : vector<16xf32>
      %add3A_280 = arith.constant 5 : i32
      %add3A_281 = vector.broadcast %add3A_280 : i32 to vector<16xi32>
      %add3A_282 = arith.addi %mul3A_3, %add3A_281 : vector<16xi32>
      %gather3A_283 = tpu.vector_load_idx %arg14[%add3A_282] : memref<256xf32, #tpu.memory_space<vmem>>[vector<16xi32>], vector<16xf32>,
      %add3A_284 = arith.addf %add3A_279, %gather3A_283 : vector<16xf32>
      %add3A_285 = arith.constant 6 : i32
      %add3A_286 = vector.broadcast %add3A_285 : i32 to vector<16xi32>
      %add3A_287 = arith.addi %mul3A_3, %add3A_286 : vector<16xi32>
      %gather3A_288 = tpu.vector_load_idx %arg14[%add3A_287] : memref<256xf32, #tpu.memory_space<vmem>>[vector<16xi32>], vector<16xf32>,
      %add3A_289 = arith.addf %add3A_284, %gather3A_288 : vector<16xf32>
      %add3A_290 = arith.constant 7 : i32
      %add3A_291 = vector.broadcast %add3A_290 : i32 to vector<16xi32>
      %add3A_292 = arith.addi %mul3A_3, %add3A_291 : vector<16xi32>
      %gather3A_293 = tpu.vector_load_idx %arg14[%add3A_292] : memref<256xf32, #tpu.memory_space<vmem>>[vector<16xi32>], vector<16xf32>,
      %add3A_294 = arith.addf %add3A_289, %gather3A_293 : vector<16xf32>
      %add3A_295 = arith.constant 8 : i32
      %add3A_296 = vector.broadcast %add3A_295 : i32 to vector<16xi32>
      %add3A_297 = arith.addi %mul3A_3, %add3A_296 : vector<16xi32>
      %gather3A_298 = tpu.vector_load_idx %arg14[%add3A_297] : memref<256xf32, #tpu.memory_space<vmem>>[vector<16xi32>], vector<16xf32>,
      %add3A_299 = arith.addf %add3A_294, %gather3A_298 : vector<16xf32>
      %add3A_300 = arith.constant 9 : i32
      %add3A_301 = vector.broadcast %add3A_300 : i32 to vector<16xi32>
      %add3A_302 = arith.addi %mul3A_3, %add3A_301 : vector<16xi32>
      %gather3A_303 = tpu.vector_load_idx %arg14[%add3A_302] : memref<256xf32, #tpu.memory_space<vmem>>[vector<16xi32>], vector<16xf32>,
      %add3A_304 = arith.addf %add3A_299, %gather3A_303 : vector<16xf32>
      %add3A_305 = arith.constant 10 : i32
      %add3A_306 = vector.broadcast %add3A_305 : i32 to vector<16xi32>
      %add3A_307 = arith.addi %mul3A_3, %add3A_306 : vector<16xi32>
      %gather3A_308 = tpu.vector_load_idx %arg14[%add3A_307] : memref<256xf32, #tpu.memory_space<vmem>>[vector<16xi32>], vector<16xf32>,
      %add3A_309 = arith.addf %add3A_304, %gather3A_308 : vector<16xf32>
      %add3A_310 = arith.constant 11 : i32
      %add3A_311 = vector.broadcast %add3A_310 : i32 to vector<16xi32>
      %add3A_312 = arith.addi %mul3A_3, %add3A_311 : vector<16xi32>
      %gather3A_313 = tpu.vector_load_idx %arg14[%add3A_312] : memref<256xf32, #tpu.memory_space<vmem>>[vector<16xi32>], vector<16xf32>,
      %add3A_314 = arith.addf %add3A_309, %gather3A_313 : vector<16xf32>
      %add3A_315 = arith.constant 12 : i32
      %add3A_316 = vector.broadcast %add3A_315 : i32 to vector<16xi32>
      %add3A_317 = arith.addi %mul3A_3, %add3A_316 : vector<16xi32>
      %gather3A_318 = tpu.vector_load_idx %arg14[%add3A_317] : memref<256xf32, #tpu.memory_space<vmem>>[vector<16xi32>], vector<16xf32>,
      %add3A_319 = arith.addf %add3A_314, %gather3A_318 : vector<16xf32>
      %add3A_320 = arith.constant 13 : i32
      %add3A_321 = vector.broadcast %add3A_320 : i32 to vector<16xi32>
      %add3A_322 = arith.addi %mul3A_3, %add3A_321 : vector<16xi32>
      %gather3A_323 = tpu.vector_load_idx %arg14[%add3A_322] : memref<256xf32, #tpu.memory_space<vmem>>[vector<16xi32>], vector<16xf32>,
      %add3A_324 = arith.addf %add3A_319, %gather3A_323 : vector<16xf32>
      %add3A_325 = arith.constant 14 : i32
      %add3A_326 = vector.broadcast %add3A_325 : i32 to vector<16xi32>
      %add3A_327 = arith.addi %mul3A_3, %add3A_326 : vector<16xi32>
      %gather3A_328 = tpu.vector_load_idx %arg14[%add3A_327] : memref<256xf32, #tpu.memory_space<vmem>>[vector<16xi32>], vector<16xf32>,
      %add3A_329 = arith.addf %add3A_324, %gather3A_328 : vector<16xf32>
      %add3A_330 = arith.constant 15 : i32
      %add3A_331 = vector.broadcast %add3A_330 : i32 to vector<16xi32>
      %add3A_332 = arith.addi %mul3A_3, %add3A_331 : vector<16xi32>
      %gather3A_333 = tpu.vector_load_idx %arg14[%add3A_332] : memref<256xf32, #tpu.memory_space<vmem>>[vector<16xi32>], vector<16xf32>,
      %add3A_334 = arith.addf %add3A_329, %gather3A_333 : vector<16xf32>
      %add3A_335 = arith.constant 128 : i32
      %add3A_336 = arith.addi %add3A_335, %mul3A_253 : i32
      %get3A = arith.index_cast %add3A_336 : i32 to index
      %get3A_337 = tpu.vector_load %arg12[%get3A] {strides = array<i32>} : memref<512xf32, #tpu.memory_space<vmem>>, vector<16xf32>,
      %add3A_338 = arith.addf %add3A_334, %get3A_337 : vector<16xf32>
      %max3A = arith.constant -1.000000e+01 : f32
      %max3A_339 = vector.broadcast %max3A : f32 to vector<16xf32>
      %max3A_340 = arith.maximumf %add3A_338, %max3A_339 : vector<16xf32>
      %min3A = arith.constant 1.000000e+01 : f32
      %min3A_341 = vector.broadcast %min3A : f32 to vector<16xf32>
      %min3A_342 = arith.minimumf %max3A_340, %min3A_341 : vector<16xf32>
      %add3A_343 = arith.constant 128 : i32
      %add3A_344 = arith.addi %add3A_343, %mul3A_253 : i32
      %swap3A = arith.index_cast %add3A_344 : i32 to index
      %swap3A_345 = tpu.vector_load %arg13[%swap3A] {strides = array<i32>} : memref<512xf32, #tpu.memory_space<vmem>>, vector<16xf32>,
      tpu.vector_store %arg13[%swap3A], %min3A_342 {strides = array<i32>} : memref<512xf32, #tpu.memory_space<vmem>>, vector<16xf32>,
    }
    %scan3A_162 = arith.constant 8 : i32
    %dma_wait3A_163 = arith.constant 256 : i32
    %dma_wait3A_164 = tpu.memref_slice %arg10[%dma_wait3A_163] : memref<512xi32, #tpu.memory_space<vmem>> -> memref<128xi32, #tpu.memory_space<vmem>>
    %dma_wait3A_165 = arith.constant 0 : i32
    %dma_wait3A_166 = arith.constant 0 : i32
    %dma_wait3A_167 = tpu.memref_slice %arg4[%dma_wait3A_165, %dma_wait3A_166] : memref<100000x128xf32, #tpu.memory_space<hbm>> -> memref<100000x128xf32, #tpu.memory_space<hbm>>
    tpu.wait_indirect_dma semaphore(%arg23 : memref<!tpu.dma_semaphore, #tpu.memory_space<semaphore_mem>>) src(%dma_wait3A_167 : memref<100000x128xf32, #tpu.memory_space<hbm>>) dst(%arg17 : memref<128x128xf32, #tpu.memory_space<vmem>>)
    %dma_wait3A_168 = arith.constant 256 : i32
    %dma_wait3A_169 = tpu.memref_slice %arg11[%dma_wait3A_168] : memref<512xi32, #tpu.memory_space<vmem>> -> memref<128xi32, #tpu.memory_space<vmem>>
    %dma_wait3A_170 = arith.constant 0 : i32
    %dma_wait3A_171 = arith.constant 0 : i32
    %dma_wait3A_172 = tpu.memref_slice %arg4[%dma_wait3A_170, %dma_wait3A_171] : memref<100000x128xf32, #tpu.memory_space<hbm>> -> memref<100000x128xf32, #tpu.memory_space<hbm>>
    tpu.wait_indirect_dma semaphore(%arg27 : memref<!tpu.dma_semaphore, #tpu.memory_space<semaphore_mem>>) src(%dma_wait3A_172 : memref<100000x128xf32, #tpu.memory_space<hbm>>) dst(%arg20 : memref<128x128xf32, #tpu.memory_space<vmem>>)
    %add3A_173 = arith.constant 256 : i32
    %add3A_174 = arith.addi %mul3A_5, %add3A_173 : i32
    %dma_start3A_175 = arith.constant 0 : i32
    %dma_start3A_176 = tpu.memref_slice %arg7[%add3A_174, %dma_start3A_175] : memref<16384x128xf32, #tpu.memory_space<hbm>> -> memref<128x128xf32, #tpu.memory_space<hbm>>
    %dma_start3A_177 = arith.constant 0 : i32
    %dma_start3A_178 = tpu.memref_slice %arg7[%add3A_174, %dma_start3A_177] : memref<16384x128xf32, #tpu.memory_space<hbm>> -> memref<128x128xf32, #tpu.memory_space<hbm>>
    tpu.enqueue_dma source(%arg17 : memref<128x128xf32, #tpu.memory_space<vmem>>) target(%dma_start3A_178 : memref<128x128xf32, #tpu.memory_space<hbm>>) target_semaphore(%arg31 : memref<!tpu.dma_semaphore, #tpu.memory_space<semaphore_mem>>)
    %add3A_179 = arith.constant 256 : i32
    %add3A_180 = arith.addi %mul3A_5, %add3A_179 : i32
    %dma_start3A_181 = arith.constant 0 : i32
    %dma_start3A_182 = tpu.memref_slice %arg8[%add3A_180, %dma_start3A_181] : memref<16384x128xf32, #tpu.memory_space<hbm>> -> memref<128x128xf32, #tpu.memory_space<hbm>>
    %dma_start3A_183 = arith.constant 0 : i32
    %dma_start3A_184 = tpu.memref_slice %arg8[%add3A_180, %dma_start3A_183] : memref<16384x128xf32, #tpu.memory_space<hbm>> -> memref<128x128xf32, #tpu.memory_space<hbm>>
    tpu.enqueue_dma source(%arg20 : memref<128x128xf32, #tpu.memory_space<vmem>>) target(%dma_start3A_184 : memref<128x128xf32, #tpu.memory_space<hbm>>) target_semaphore(%arg35 : memref<!tpu.dma_semaphore, #tpu.memory_space<semaphore_mem>>)
    %scan3A_185 = arith.constant 0 : i32
    %scan3A_186 = arith.constant 0 : i32
    %scan3A_187 = arith.constant 8 : i32
    %scan3A_188 = arith.addi %scan3A_186, %scan3A_187 : i32
    %scan3A_189 = arith.constant 1 : i32
    scf.for %scan3A_251 = %scan3A_186 to %scan3A_188 step %scan3A_189  : i32 {
      %mul3A_252 = arith.constant 16 : i32
      %mul3A_253 = arith.muli %scan3A_251, %mul3A_252 : i32
      %scan3A_254 = arith.constant 0 : i32
      %scan3A_255 = arith.constant 0 : i32
      %scan3A_256 = arith.constant 16 : i32
      %scan3A_257 = arith.addi %scan3A_255, %scan3A_256 : i32
      %scan3A_258 = arith.constant 1 : i32
      scf.for %scan3A_346 = %scan3A_255 to %scan3A_257 step %scan3A_258  : i32 {
        %add3A_347 = arith.addi %mul3A_253, %scan3A_346 : i32
        %get3A_348 = arith.index_cast %add3A_347 : i32 to index
        %get3A_349 = arith.constant 0 : index
        %get3A_350 = tpu.vector_load %arg17[%get3A_348, %get3A_349] {strides = array<i32>} : memref<128x128xf32, #tpu.memory_space<vmem>>, vector<16xf32>,
        %get3A_351 = arith.index_cast %add3A_347 : i32 to index
        %get3A_352 = arith.constant 0 : index
        %get3A_353 = tpu.vector_load %arg20[%get3A_351, %get3A_352] {strides = array<i32>} : memref<128x128xf32, #tpu.memory_space<vmem>>, vector<16xf32>,
        %mul3A_354 = arith.mulf %get3A_350, %get3A_353 : vector<16xf32>
        %get3A_355 = arith.index_cast %add3A_347 : i32 to index
        %get3A_356 = arith.constant 16 : index
        %get3A_357 = tpu.vector_load %arg17[%get3A_355, %get3A_356] {strides = array<i32>} : memref<128x128xf32, #tpu.memory_space<vmem>>, vector<16xf32>,
        %get3A_358 = arith.index_cast %add3A_347 : i32 to index
        %get3A_359 = arith.constant 16 : index
        %get3A_360 = tpu.vector_load %arg20[%get3A_358, %get3A_359] {strides = array<i32>} : memref<128x128xf32, #tpu.memory_space<vmem>>, vector<16xf32>,
        %mul3A_361 = arith.mulf %get3A_357, %get3A_360 : vector<16xf32>
        %add3A_362 = arith.addf %mul3A_354, %mul3A_361 : vector<16xf32>
        %get3A_363 = arith.index_cast %add3A_347 : i32 to index
        %get3A_364 = arith.constant 32 : index
        %get3A_365 = tpu.vector_load %arg17[%get3A_363, %get3A_364] {strides = array<i32>} : memref<128x128xf32, #tpu.memory_space<vmem>>, vector<16xf32>,
        %get3A_366 = arith.index_cast %add3A_347 : i32 to index
        %get3A_367 = arith.constant 32 : index
        %get3A_368 = tpu.vector_load %arg20[%get3A_366, %get3A_367] {strides = array<i32>} : memref<128x128xf32, #tpu.memory_space<vmem>>, vector<16xf32>,
        %mul3A_369 = arith.mulf %get3A_365, %get3A_368 : vector<16xf32>
        %add3A_370 = arith.addf %add3A_362, %mul3A_369 : vector<16xf32>
        %get3A_371 = arith.index_cast %add3A_347 : i32 to index
        %get3A_372 = arith.constant 48 : index
        %get3A_373 = tpu.vector_load %arg17[%get3A_371, %get3A_372] {strides = array<i32>} : memref<128x128xf32, #tpu.memory_space<vmem>>, vector<16xf32>,
        %get3A_374 = arith.index_cast %add3A_347 : i32 to index
        %get3A_375 = arith.constant 48 : index
        %get3A_376 = tpu.vector_load %arg20[%get3A_374, %get3A_375] {strides = array<i32>} : memref<128x128xf32, #tpu.memory_space<vmem>>, vector<16xf32>,
        %mul3A_377 = arith.mulf %get3A_373, %get3A_376 : vector<16xf32>
        %add3A_378 = arith.addf %add3A_370, %mul3A_377 : vector<16xf32>
        %get3A_379 = arith.index_cast %add3A_347 : i32 to index
        %get3A_380 = arith.constant 64 : index
        %get3A_381 = tpu.vector_load %arg17[%get3A_379, %get3A_380] {strides = array<i32>} : memref<128x128xf32, #tpu.memory_space<vmem>>, vector<16xf32>,
        %get3A_382 = arith.index_cast %add3A_347 : i32 to index
        %get3A_383 = arith.constant 64 : index
        %get3A_384 = tpu.vector_load %arg20[%get3A_382, %get3A_383] {strides = array<i32>} : memref<128x128xf32, #tpu.memory_space<vmem>>, vector<16xf32>,
        %mul3A_385 = arith.mulf %get3A_381, %get3A_384 : vector<16xf32>
        %add3A_386 = arith.addf %add3A_378, %mul3A_385 : vector<16xf32>
        %get3A_387 = arith.index_cast %add3A_347 : i32 to index
        %get3A_388 = arith.constant 80 : index
        %get3A_389 = tpu.vector_load %arg17[%get3A_387, %get3A_388] {strides = array<i32>} : memref<128x128xf32, #tpu.memory_space<vmem>>, vector<16xf32>,
        %get3A_390 = arith.index_cast %add3A_347 : i32 to index
        %get3A_391 = arith.constant 80 : index
        %get3A_392 = tpu.vector_load %arg20[%get3A_390, %get3A_391] {strides = array<i32>} : memref<128x128xf32, #tpu.memory_space<vmem>>, vector<16xf32>,
        %mul3A_393 = arith.mulf %get3A_389, %get3A_392 : vector<16xf32>
        %add3A_394 = arith.addf %add3A_386, %mul3A_393 : vector<16xf32>
        %get3A_395 = arith.index_cast %add3A_347 : i32 to index
        %get3A_396 = arith.constant 96 : index
        %get3A_397 = tpu.vector_load %arg17[%get3A_395, %get3A_396] {strides = array<i32>} : memref<128x128xf32, #tpu.memory_space<vmem>>, vector<16xf32>,
        %get3A_398 = arith.index_cast %add3A_347 : i32 to index
        %get3A_399 = arith.constant 96 : index
        %get3A_400 = tpu.vector_load %arg20[%get3A_398, %get3A_399] {strides = array<i32>} : memref<128x128xf32, #tpu.memory_space<vmem>>, vector<16xf32>,
        %mul3A_401 = arith.mulf %get3A_397, %get3A_400 : vector<16xf32>
        %add3A_402 = arith.addf %add3A_394, %mul3A_401 : vector<16xf32>
        %get3A_403 = arith.index_cast %add3A_347 : i32 to index
        %get3A_404 = arith.constant 112 : index
        %get3A_405 = tpu.vector_load %arg17[%get3A_403, %get3A_404] {strides = array<i32>} : memref<128x128xf32, #tpu.memory_space<vmem>>, vector<16xf32>,
        %get3A_406 = arith.index_cast %add3A_347 : i32 to index
        %get3A_407 = arith.constant 112 : index
        %get3A_408 = tpu.vector_load %arg20[%get3A_406, %get3A_407] {strides = array<i32>} : memref<128x128xf32, #tpu.memory_space<vmem>>, vector<16xf32>,
        %mul3A_409 = arith.mulf %get3A_405, %get3A_408 : vector<16xf32>
        %add3A_410 = arith.addf %add3A_402, %mul3A_409 : vector<16xf32>
        %mul3A_411 = arith.constant 16 : i32
        %mul3A_412 = arith.muli %scan3A_346, %mul3A_411 : i32
        %swap3A_413 = arith.index_cast %mul3A_412 : i32 to index
        %swap3A_414 = tpu.vector_load %arg14[%swap3A_413] {strides = array<i32>} : memref<256xf32, #tpu.memory_space<vmem>>, vector<16xf32>,
        tpu.vector_store %arg14[%swap3A_413], %add3A_410 {strides = array<i32>} : memref<256xf32, #tpu.memory_space<vmem>>, vector<16xf32>,
      }
      %scan3A_259 = arith.constant 16 : i32
      %gather3A = tpu.vector_load_idx %arg14[%mul3A_3] : memref<256xf32, #tpu.memory_space<vmem>>[vector<16xi32>], vector<16xf32>,
      %add3A_260 = arith.constant 1 : i32
      %add3A_261 = vector.broadcast %add3A_260 : i32 to vector<16xi32>
      %add3A_262 = arith.addi %mul3A_3, %add3A_261 : vector<16xi32>
      %gather3A_263 = tpu.vector_load_idx %arg14[%add3A_262] : memref<256xf32, #tpu.memory_space<vmem>>[vector<16xi32>], vector<16xf32>,
      %add3A_264 = arith.addf %gather3A, %gather3A_263 : vector<16xf32>
      %add3A_265 = arith.constant 2 : i32
      %add3A_266 = vector.broadcast %add3A_265 : i32 to vector<16xi32>
      %add3A_267 = arith.addi %mul3A_3, %add3A_266 : vector<16xi32>
      %gather3A_268 = tpu.vector_load_idx %arg14[%add3A_267] : memref<256xf32, #tpu.memory_space<vmem>>[vector<16xi32>], vector<16xf32>,
      %add3A_269 = arith.addf %add3A_264, %gather3A_268 : vector<16xf32>
      %add3A_270 = arith.constant 3 : i32
      %add3A_271 = vector.broadcast %add3A_270 : i32 to vector<16xi32>
      %add3A_272 = arith.addi %mul3A_3, %add3A_271 : vector<16xi32>
      %gather3A_273 = tpu.vector_load_idx %arg14[%add3A_272] : memref<256xf32, #tpu.memory_space<vmem>>[vector<16xi32>], vector<16xf32>,
      %add3A_274 = arith.addf %add3A_269, %gather3A_273 : vector<16xf32>
      %add3A_275 = arith.constant 4 : i32
      %add3A_276 = vector.broadcast %add3A_275 : i32 to vector<16xi32>
      %add3A_277 = arith.addi %mul3A_3, %add3A_276 : vector<16xi32>
      %gather3A_278 = tpu.vector_load_idx %arg14[%add3A_277] : memref<256xf32, #tpu.memory_space<vmem>>[vector<16xi32>], vector<16xf32>,
      %add3A_279 = arith.addf %add3A_274, %gather3A_278 : vector<16xf32>
      %add3A_280 = arith.constant 5 : i32
      %add3A_281 = vector.broadcast %add3A_280 : i32 to vector<16xi32>
      %add3A_282 = arith.addi %mul3A_3, %add3A_281 : vector<16xi32>
      %gather3A_283 = tpu.vector_load_idx %arg14[%add3A_282] : memref<256xf32, #tpu.memory_space<vmem>>[vector<16xi32>], vector<16xf32>,
      %add3A_284 = arith.addf %add3A_279, %gather3A_283 : vector<16xf32>
      %add3A_285 = arith.constant 6 : i32
      %add3A_286 = vector.broadcast %add3A_285 : i32 to vector<16xi32>
      %add3A_287 = arith.addi %mul3A_3, %add3A_286 : vector<16xi32>
      %gather3A_288 = tpu.vector_load_idx %arg14[%add3A_287] : memref<256xf32, #tpu.memory_space<vmem>>[vector<16xi32>], vector<16xf32>,
      %add3A_289 = arith.addf %add3A_284, %gather3A_288 : vector<16xf32>
      %add3A_290 = arith.constant 7 : i32
      %add3A_291 = vector.broadcast %add3A_290 : i32 to vector<16xi32>
      %add3A_292 = arith.addi %mul3A_3, %add3A_291 : vector<16xi32>
      %gather3A_293 = tpu.vector_load_idx %arg14[%add3A_292] : memref<256xf32, #tpu.memory_space<vmem>>[vector<16xi32>], vector<16xf32>,
      %add3A_294 = arith.addf %add3A_289, %gather3A_293 : vector<16xf32>
      %add3A_295 = arith.constant 8 : i32
      %add3A_296 = vector.broadcast %add3A_295 : i32 to vector<16xi32>
      %add3A_297 = arith.addi %mul3A_3, %add3A_296 : vector<16xi32>
      %gather3A_298 = tpu.vector_load_idx %arg14[%add3A_297] : memref<256xf32, #tpu.memory_space<vmem>>[vector<16xi32>], vector<16xf32>,
      %add3A_299 = arith.addf %add3A_294, %gather3A_298 : vector<16xf32>
      %add3A_300 = arith.constant 9 : i32
      %add3A_301 = vector.broadcast %add3A_300 : i32 to vector<16xi32>
      %add3A_302 = arith.addi %mul3A_3, %add3A_301 : vector<16xi32>
      %gather3A_303 = tpu.vector_load_idx %arg14[%add3A_302] : memref<256xf32, #tpu.memory_space<vmem>>[vector<16xi32>], vector<16xf32>,
      %add3A_304 = arith.addf %add3A_299, %gather3A_303 : vector<16xf32>
      %add3A_305 = arith.constant 10 : i32
      %add3A_306 = vector.broadcast %add3A_305 : i32 to vector<16xi32>
      %add3A_307 = arith.addi %mul3A_3, %add3A_306 : vector<16xi32>
      %gather3A_308 = tpu.vector_load_idx %arg14[%add3A_307] : memref<256xf32, #tpu.memory_space<vmem>>[vector<16xi32>], vector<16xf32>,
      %add3A_309 = arith.addf %add3A_304, %gather3A_308 : vector<16xf32>
      %add3A_310 = arith.constant 11 : i32
      %add3A_311 = vector.broadcast %add3A_310 : i32 to vector<16xi32>
      %add3A_312 = arith.addi %mul3A_3, %add3A_311 : vector<16xi32>
      %gather3A_313 = tpu.vector_load_idx %arg14[%add3A_312] : memref<256xf32, #tpu.memory_space<vmem>>[vector<16xi32>], vector<16xf32>,
      %add3A_314 = arith.addf %add3A_309, %gather3A_313 : vector<16xf32>
      %add3A_315 = arith.constant 12 : i32
      %add3A_316 = vector.broadcast %add3A_315 : i32 to vector<16xi32>
      %add3A_317 = arith.addi %mul3A_3, %add3A_316 : vector<16xi32>
      %gather3A_318 = tpu.vector_load_idx %arg14[%add3A_317] : memref<256xf32, #tpu.memory_space<vmem>>[vector<16xi32>], vector<16xf32>,
      %add3A_319 = arith.addf %add3A_314, %gather3A_318 : vector<16xf32>
      %add3A_320 = arith.constant 13 : i32
      %add3A_321 = vector.broadcast %add3A_320 : i32 to vector<16xi32>
      %add3A_322 = arith.addi %mul3A_3, %add3A_321 : vector<16xi32>
      %gather3A_323 = tpu.vector_load_idx %arg14[%add3A_322] : memref<256xf32, #tpu.memory_space<vmem>>[vector<16xi32>], vector<16xf32>,
      %add3A_324 = arith.addf %add3A_319, %gather3A_323 : vector<16xf32>
      %add3A_325 = arith.constant 14 : i32
      %add3A_326 = vector.broadcast %add3A_325 : i32 to vector<16xi32>
      %add3A_327 = arith.addi %mul3A_3, %add3A_326 : vector<16xi32>
      %gather3A_328 = tpu.vector_load_idx %arg14[%add3A_327] : memref<256xf32, #tpu.memory_space<vmem>>[vector<16xi32>], vector<16xf32>,
      %add3A_329 = arith.addf %add3A_324, %gather3A_328 : vector<16xf32>
      %add3A_330 = arith.constant 15 : i32
      %add3A_331 = vector.broadcast %add3A_330 : i32 to vector<16xi32>
      %add3A_332 = arith.addi %mul3A_3, %add3A_331 : vector<16xi32>
      %gather3A_333 = tpu.vector_load_idx %arg14[%add3A_332] : memref<256xf32, #tpu.memory_space<vmem>>[vector<16xi32>], vector<16xf32>,
      %add3A_334 = arith.addf %add3A_329, %gather3A_333 : vector<16xf32>
      %add3A_335 = arith.constant 256 : i32
      %add3A_336 = arith.addi %add3A_335, %mul3A_253 : i32
      %get3A = arith.index_cast %add3A_336 : i32 to index
      %get3A_337 = tpu.vector_load %arg12[%get3A] {strides = array<i32>} : memref<512xf32, #tpu.memory_space<vmem>>, vector<16xf32>,
      %add3A_338 = arith.addf %add3A_334, %get3A_337 : vector<16xf32>
      %max3A = arith.constant -1.000000e+01 : f32
      %max3A_339 = vector.broadcast %max3A : f32 to vector<16xf32>
      %max3A_340 = arith.maximumf %add3A_338, %max3A_339 : vector<16xf32>
      %min3A = arith.constant 1.000000e+01 : f32
      %min3A_341 = vector.broadcast %min3A : f32 to vector<16xf32>
      %min3A_342 = arith.minimumf %max3A_340, %min3A_341 : vector<16xf32>
      %add3A_343 = arith.constant 256 : i32
      %add3A_344 = arith.addi %add3A_343, %mul3A_253 : i32
      %swap3A = arith.index_cast %add3A_344 : i32 to index
      %swap3A_345 = tpu.vector_load %arg13[%swap3A] {strides = array<i32>} : memref<512xf32, #tpu.memory_space<vmem>>, vector<16xf32>,
      tpu.vector_store %arg13[%swap3A], %min3A_342 {strides = array<i32>} : memref<512xf32, #tpu.memory_space<vmem>>, vector<16xf32>,
    }
    %scan3A_190 = arith.constant 8 : i32
    %dma_wait3A_191 = arith.constant 384 : i32
    %dma_wait3A_192 = tpu.memref_slice %arg10[%dma_wait3A_191] : memref<512xi32, #tpu.memory_space<vmem>> -> memref<128xi32, #tpu.memory_space<vmem>>
    %dma_wait3A_193 = arith.constant 0 : i32
    %dma_wait3A_194 = arith.constant 0 : i32
    %dma_wait3A_195 = tpu.memref_slice %arg4[%dma_wait3A_193, %dma_wait3A_194] : memref<100000x128xf32, #tpu.memory_space<hbm>> -> memref<100000x128xf32, #tpu.memory_space<hbm>>
    tpu.wait_indirect_dma semaphore(%arg24 : memref<!tpu.dma_semaphore, #tpu.memory_space<semaphore_mem>>) src(%dma_wait3A_195 : memref<100000x128xf32, #tpu.memory_space<hbm>>) dst(%arg15 : memref<128x128xf32, #tpu.memory_space<vmem>>)
    %dma_wait3A_196 = arith.constant 384 : i32
    %dma_wait3A_197 = tpu.memref_slice %arg11[%dma_wait3A_196] : memref<512xi32, #tpu.memory_space<vmem>> -> memref<128xi32, #tpu.memory_space<vmem>>
    %dma_wait3A_198 = arith.constant 0 : i32
    %dma_wait3A_199 = arith.constant 0 : i32
    %dma_wait3A_200 = tpu.memref_slice %arg4[%dma_wait3A_198, %dma_wait3A_199] : memref<100000x128xf32, #tpu.memory_space<hbm>> -> memref<100000x128xf32, #tpu.memory_space<hbm>>
    tpu.wait_indirect_dma semaphore(%arg28 : memref<!tpu.dma_semaphore, #tpu.memory_space<semaphore_mem>>) src(%dma_wait3A_200 : memref<100000x128xf32, #tpu.memory_space<hbm>>) dst(%arg18 : memref<128x128xf32, #tpu.memory_space<vmem>>)
    %add3A_201 = arith.constant 384 : i32
    %add3A_202 = arith.addi %mul3A_5, %add3A_201 : i32
    %dma_start3A_203 = arith.constant 0 : i32
    %dma_start3A_204 = tpu.memref_slice %arg7[%add3A_202, %dma_start3A_203] : memref<16384x128xf32, #tpu.memory_space<hbm>> -> memref<128x128xf32, #tpu.memory_space<hbm>>
    %dma_start3A_205 = arith.constant 0 : i32
    %dma_start3A_206 = tpu.memref_slice %arg7[%add3A_202, %dma_start3A_205] : memref<16384x128xf32, #tpu.memory_space<hbm>> -> memref<128x128xf32, #tpu.memory_space<hbm>>
    tpu.enqueue_dma source(%arg15 : memref<128x128xf32, #tpu.memory_space<vmem>>) target(%dma_start3A_206 : memref<128x128xf32, #tpu.memory_space<hbm>>) target_semaphore(%arg32 : memref<!tpu.dma_semaphore, #tpu.memory_space<semaphore_mem>>)
    %add3A_207 = arith.constant 384 : i32
    %add3A_208 = arith.addi %mul3A_5, %add3A_207 : i32
    %dma_start3A_209 = arith.constant 0 : i32
    %dma_start3A_210 = tpu.memref_slice %arg8[%add3A_208, %dma_start3A_209] : memref<16384x128xf32, #tpu.memory_space<hbm>> -> memref<128x128xf32, #tpu.memory_space<hbm>>
    %dma_start3A_211 = arith.constant 0 : i32
    %dma_start3A_212 = tpu.memref_slice %arg8[%add3A_208, %dma_start3A_211] : memref<16384x128xf32, #tpu.memory_space<hbm>> -> memref<128x128xf32, #tpu.memory_space<hbm>>
    tpu.enqueue_dma source(%arg18 : memref<128x128xf32, #tpu.memory_space<vmem>>) target(%dma_start3A_212 : memref<128x128xf32, #tpu.memory_space<hbm>>) target_semaphore(%arg36 : memref<!tpu.dma_semaphore, #tpu.memory_space<semaphore_mem>>)
    %scan3A_213 = arith.constant 0 : i32
    %scan3A_214 = arith.constant 0 : i32
    %scan3A_215 = arith.constant 8 : i32
    %scan3A_216 = arith.addi %scan3A_214, %scan3A_215 : i32
    %scan3A_217 = arith.constant 1 : i32
    scf.for %scan3A_251 = %scan3A_214 to %scan3A_216 step %scan3A_217  : i32 {
      %mul3A_252 = arith.constant 16 : i32
      %mul3A_253 = arith.muli %scan3A_251, %mul3A_252 : i32
      %scan3A_254 = arith.constant 0 : i32
      %scan3A_255 = arith.constant 0 : i32
      %scan3A_256 = arith.constant 16 : i32
      %scan3A_257 = arith.addi %scan3A_255, %scan3A_256 : i32
      %scan3A_258 = arith.constant 1 : i32
      scf.for %scan3A_346 = %scan3A_255 to %scan3A_257 step %scan3A_258  : i32 {
        %add3A_347 = arith.addi %mul3A_253, %scan3A_346 : i32
        %get3A_348 = arith.index_cast %add3A_347 : i32 to index
        %get3A_349 = arith.constant 0 : index
        %get3A_350 = tpu.vector_load %arg15[%get3A_348, %get3A_349] {strides = array<i32>} : memref<128x128xf32, #tpu.memory_space<vmem>>, vector<16xf32>,
        %get3A_351 = arith.index_cast %add3A_347 : i32 to index
        %get3A_352 = arith.constant 0 : index
        %get3A_353 = tpu.vector_load %arg18[%get3A_351, %get3A_352] {strides = array<i32>} : memref<128x128xf32, #tpu.memory_space<vmem>>, vector<16xf32>,
        %mul3A_354 = arith.mulf %get3A_350, %get3A_353 : vector<16xf32>
        %get3A_355 = arith.index_cast %add3A_347 : i32 to index
        %get3A_356 = arith.constant 16 : index
        %get3A_357 = tpu.vector_load %arg15[%get3A_355, %get3A_356] {strides = array<i32>} : memref<128x128xf32, #tpu.memory_space<vmem>>, vector<16xf32>,
        %get3A_358 = arith.index_cast %add3A_347 : i32 to index
        %get3A_359 = arith.constant 16 : index
        %get3A_360 = tpu.vector_load %arg18[%get3A_358, %get3A_359] {strides = array<i32>} : memref<128x128xf32, #tpu.memory_space<vmem>>, vector<16xf32>,
        %mul3A_361 = arith.mulf %get3A_357, %get3A_360 : vector<16xf32>
        %add3A_362 = arith.addf %mul3A_354, %mul3A_361 : vector<16xf32>
        %get3A_363 = arith.index_cast %add3A_347 : i32 to index
        %get3A_364 = arith.constant 32 : index
        %get3A_365 = tpu.vector_load %arg15[%get3A_363, %get3A_364] {strides = array<i32>} : memref<128x128xf32, #tpu.memory_space<vmem>>, vector<16xf32>,
        %get3A_366 = arith.index_cast %add3A_347 : i32 to index
        %get3A_367 = arith.constant 32 : index
        %get3A_368 = tpu.vector_load %arg18[%get3A_366, %get3A_367] {strides = array<i32>} : memref<128x128xf32, #tpu.memory_space<vmem>>, vector<16xf32>,
        %mul3A_369 = arith.mulf %get3A_365, %get3A_368 : vector<16xf32>
        %add3A_370 = arith.addf %add3A_362, %mul3A_369 : vector<16xf32>
        %get3A_371 = arith.index_cast %add3A_347 : i32 to index
        %get3A_372 = arith.constant 48 : index
        %get3A_373 = tpu.vector_load %arg15[%get3A_371, %get3A_372] {strides = array<i32>} : memref<128x128xf32, #tpu.memory_space<vmem>>, vector<16xf32>,
        %get3A_374 = arith.index_cast %add3A_347 : i32 to index
        %get3A_375 = arith.constant 48 : index
        %get3A_376 = tpu.vector_load %arg18[%get3A_374, %get3A_375] {strides = array<i32>} : memref<128x128xf32, #tpu.memory_space<vmem>>, vector<16xf32>,
        %mul3A_377 = arith.mulf %get3A_373, %get3A_376 : vector<16xf32>
        %add3A_378 = arith.addf %add3A_370, %mul3A_377 : vector<16xf32>
        %get3A_379 = arith.index_cast %add3A_347 : i32 to index
        %get3A_380 = arith.constant 64 : index
        %get3A_381 = tpu.vector_load %arg15[%get3A_379, %get3A_380] {strides = array<i32>} : memref<128x128xf32, #tpu.memory_space<vmem>>, vector<16xf32>,
        %get3A_382 = arith.index_cast %add3A_347 : i32 to index
        %get3A_383 = arith.constant 64 : index
        %get3A_384 = tpu.vector_load %arg18[%get3A_382, %get3A_383] {strides = array<i32>} : memref<128x128xf32, #tpu.memory_space<vmem>>, vector<16xf32>,
        %mul3A_385 = arith.mulf %get3A_381, %get3A_384 : vector<16xf32>
        %add3A_386 = arith.addf %add3A_378, %mul3A_385 : vector<16xf32>
        %get3A_387 = arith.index_cast %add3A_347 : i32 to index
        %get3A_388 = arith.constant 80 : index
        %get3A_389 = tpu.vector_load %arg15[%get3A_387, %get3A_388] {strides = array<i32>} : memref<128x128xf32, #tpu.memory_space<vmem>>, vector<16xf32>,
        %get3A_390 = arith.index_cast %add3A_347 : i32 to index
        %get3A_391 = arith.constant 80 : index
        %get3A_392 = tpu.vector_load %arg18[%get3A_390, %get3A_391] {strides = array<i32>} : memref<128x128xf32, #tpu.memory_space<vmem>>, vector<16xf32>,
        %mul3A_393 = arith.mulf %get3A_389, %get3A_392 : vector<16xf32>
        %add3A_394 = arith.addf %add3A_386, %mul3A_393 : vector<16xf32>
        %get3A_395 = arith.index_cast %add3A_347 : i32 to index
        %get3A_396 = arith.constant 96 : index
        %get3A_397 = tpu.vector_load %arg15[%get3A_395, %get3A_396] {strides = array<i32>} : memref<128x128xf32, #tpu.memory_space<vmem>>, vector<16xf32>,
        %get3A_398 = arith.index_cast %add3A_347 : i32 to index
        %get3A_399 = arith.constant 96 : index
        %get3A_400 = tpu.vector_load %arg18[%get3A_398, %get3A_399] {strides = array<i32>} : memref<128x128xf32, #tpu.memory_space<vmem>>, vector<16xf32>,
        %mul3A_401 = arith.mulf %get3A_397, %get3A_400 : vector<16xf32>
        %add3A_402 = arith.addf %add3A_394, %mul3A_401 : vector<16xf32>
        %get3A_403 = arith.index_cast %add3A_347 : i32 to index
        %get3A_404 = arith.constant 112 : index
        %get3A_405 = tpu.vector_load %arg15[%get3A_403, %get3A_404] {strides = array<i32>} : memref<128x128xf32, #tpu.memory_space<vmem>>, vector<16xf32>,
        %get3A_406 = arith.index_cast %add3A_347 : i32 to index
        %get3A_407 = arith.constant 112 : index
        %get3A_408 = tpu.vector_load %arg18[%get3A_406, %get3A_407] {strides = array<i32>} : memref<128x128xf32, #tpu.memory_space<vmem>>, vector<16xf32>,
        %mul3A_409 = arith.mulf %get3A_405, %get3A_408 : vector<16xf32>
        %add3A_410 = arith.addf %add3A_402, %mul3A_409 : vector<16xf32>
        %mul3A_411 = arith.constant 16 : i32
        %mul3A_412 = arith.muli %scan3A_346, %mul3A_411 : i32
        %swap3A_413 = arith.index_cast %mul3A_412 : i32 to index
        %swap3A_414 = tpu.vector_load %arg14[%swap3A_413] {strides = array<i32>} : memref<256xf32, #tpu.memory_space<vmem>>, vector<16xf32>,
        tpu.vector_store %arg14[%swap3A_413], %add3A_410 {strides = array<i32>} : memref<256xf32, #tpu.memory_space<vmem>>, vector<16xf32>,
      }
      %scan3A_259 = arith.constant 16 : i32
      %gather3A = tpu.vector_load_idx %arg14[%mul3A_3] : memref<256xf32, #tpu.memory_space<vmem>>[vector<16xi32>], vector<16xf32>,
      %add3A_260 = arith.constant 1 : i32
      %add3A_261 = vector.broadcast %add3A_260 : i32 to vector<16xi32>
      %add3A_262 = arith.addi %mul3A_3, %add3A_261 : vector<16xi32>
      %gather3A_263 = tpu.vector_load_idx %arg14[%add3A_262] : memref<256xf32, #tpu.memory_space<vmem>>[vector<16xi32>], vector<16xf32>,
      %add3A_264 = arith.addf %gather3A, %gather3A_263 : vector<16xf32>
      %add3A_265 = arith.constant 2 : i32
      %add3A_266 = vector.broadcast %add3A_265 : i32 to vector<16xi32>
      %add3A_267 = arith.addi %mul3A_3, %add3A_266 : vector<16xi32>
      %gather3A_268 = tpu.vector_load_idx %arg14[%add3A_267] : memref<256xf32, #tpu.memory_space<vmem>>[vector<16xi32>], vector<16xf32>,
      %add3A_269 = arith.addf %add3A_264, %gather3A_268 : vector<16xf32>
      %add3A_270 = arith.constant 3 : i32
      %add3A_271 = vector.broadcast %add3A_270 : i32 to vector<16xi32>
      %add3A_272 = arith.addi %mul3A_3, %add3A_271 : vector<16xi32>
      %gather3A_273 = tpu.vector_load_idx %arg14[%add3A_272] : memref<256xf32, #tpu.memory_space<vmem>>[vector<16xi32>], vector<16xf32>,
      %add3A_274 = arith.addf %add3A_269, %gather3A_273 : vector<16xf32>
      %add3A_275 = arith.constant 4 : i32
      %add3A_276 = vector.broadcast %add3A_275 : i32 to vector<16xi32>
      %add3A_277 = arith.addi %mul3A_3, %add3A_276 : vector<16xi32>
      %gather3A_278 = tpu.vector_load_idx %arg14[%add3A_277] : memref<256xf32, #tpu.memory_space<vmem>>[vector<16xi32>], vector<16xf32>,
      %add3A_279 = arith.addf %add3A_274, %gather3A_278 : vector<16xf32>
      %add3A_280 = arith.constant 5 : i32
      %add3A_281 = vector.broadcast %add3A_280 : i32 to vector<16xi32>
      %add3A_282 = arith.addi %mul3A_3, %add3A_281 : vector<16xi32>
      %gather3A_283 = tpu.vector_load_idx %arg14[%add3A_282] : memref<256xf32, #tpu.memory_space<vmem>>[vector<16xi32>], vector<16xf32>,
      %add3A_284 = arith.addf %add3A_279, %gather3A_283 : vector<16xf32>
      %add3A_285 = arith.constant 6 : i32
      %add3A_286 = vector.broadcast %add3A_285 : i32 to vector<16xi32>
      %add3A_287 = arith.addi %mul3A_3, %add3A_286 : vector<16xi32>
      %gather3A_288 = tpu.vector_load_idx %arg14[%add3A_287] : memref<256xf32, #tpu.memory_space<vmem>>[vector<16xi32>], vector<16xf32>,
      %add3A_289 = arith.addf %add3A_284, %gather3A_288 : vector<16xf32>
      %add3A_290 = arith.constant 7 : i32
      %add3A_291 = vector.broadcast %add3A_290 : i32 to vector<16xi32>
      %add3A_292 = arith.addi %mul3A_3, %add3A_291 : vector<16xi32>
      %gather3A_293 = tpu.vector_load_idx %arg14[%add3A_292] : memref<256xf32, #tpu.memory_space<vmem>>[vector<16xi32>], vector<16xf32>,
      %add3A_294 = arith.addf %add3A_289, %gather3A_293 : vector<16xf32>
      %add3A_295 = arith.constant 8 : i32
      %add3A_296 = vector.broadcast %add3A_295 : i32 to vector<16xi32>
      %add3A_297 = arith.addi %mul3A_3, %add3A_296 : vector<16xi32>
      %gather3A_298 = tpu.vector_load_idx %arg14[%add3A_297] : memref<256xf32, #tpu.memory_space<vmem>>[vector<16xi32>], vector<16xf32>,
      %add3A_299 = arith.addf %add3A_294, %gather3A_298 : vector<16xf32>
      %add3A_300 = arith.constant 9 : i32
      %add3A_301 = vector.broadcast %add3A_300 : i32 to vector<16xi32>
      %add3A_302 = arith.addi %mul3A_3, %add3A_301 : vector<16xi32>
      %gather3A_303 = tpu.vector_load_idx %arg14[%add3A_302] : memref<256xf32, #tpu.memory_space<vmem>>[vector<16xi32>], vector<16xf32>,
      %add3A_304 = arith.addf %add3A_299, %gather3A_303 : vector<16xf32>
      %add3A_305 = arith.constant 10 : i32
      %add3A_306 = vector.broadcast %add3A_305 : i32 to vector<16xi32>
      %add3A_307 = arith.addi %mul3A_3, %add3A_306 : vector<16xi32>
      %gather3A_308 = tpu.vector_load_idx %arg14[%add3A_307] : memref<256xf32, #tpu.memory_space<vmem>>[vector<16xi32>], vector<16xf32>,
      %add3A_309 = arith.addf %add3A_304, %gather3A_308 : vector<16xf32>
      %add3A_310 = arith.constant 11 : i32
      %add3A_311 = vector.broadcast %add3A_310 : i32 to vector<16xi32>
      %add3A_312 = arith.addi %mul3A_3, %add3A_311 : vector<16xi32>
      %gather3A_313 = tpu.vector_load_idx %arg14[%add3A_312] : memref<256xf32, #tpu.memory_space<vmem>>[vector<16xi32>], vector<16xf32>,
      %add3A_314 = arith.addf %add3A_309, %gather3A_313 : vector<16xf32>
      %add3A_315 = arith.constant 12 : i32
      %add3A_316 = vector.broadcast %add3A_315 : i32 to vector<16xi32>
      %add3A_317 = arith.addi %mul3A_3, %add3A_316 : vector<16xi32>
      %gather3A_318 = tpu.vector_load_idx %arg14[%add3A_317] : memref<256xf32, #tpu.memory_space<vmem>>[vector<16xi32>], vector<16xf32>,
      %add3A_319 = arith.addf %add3A_314, %gather3A_318 : vector<16xf32>
      %add3A_320 = arith.constant 13 : i32
      %add3A_321 = vector.broadcast %add3A_320 : i32 to vector<16xi32>
      %add3A_322 = arith.addi %mul3A_3, %add3A_321 : vector<16xi32>
      %gather3A_323 = tpu.vector_load_idx %arg14[%add3A_322] : memref<256xf32, #tpu.memory_space<vmem>>[vector<16xi32>], vector<16xf32>,
      %add3A_324 = arith.addf %add3A_319, %gather3A_323 : vector<16xf32>
      %add3A_325 = arith.constant 14 : i32
      %add3A_326 = vector.broadcast %add3A_325 : i32 to vector<16xi32>
      %add3A_327 = arith.addi %mul3A_3, %add3A_326 : vector<16xi32>
      %gather3A_328 = tpu.vector_load_idx %arg14[%add3A_327] : memref<256xf32, #tpu.memory_space<vmem>>[vector<16xi32>], vector<16xf32>,
      %add3A_329 = arith.addf %add3A_324, %gather3A_328 : vector<16xf32>
      %add3A_330 = arith.constant 15 : i32
      %add3A_331 = vector.broadcast %add3A_330 : i32 to vector<16xi32>
      %add3A_332 = arith.addi %mul3A_3, %add3A_331 : vector<16xi32>
      %gather3A_333 = tpu.vector_load_idx %arg14[%add3A_332] : memref<256xf32, #tpu.memory_space<vmem>>[vector<16xi32>], vector<16xf32>,
      %add3A_334 = arith.addf %add3A_329, %gather3A_333 : vector<16xf32>
      %add3A_335 = arith.constant 384 : i32
      %add3A_336 = arith.addi %add3A_335, %mul3A_253 : i32
      %get3A = arith.index_cast %add3A_336 : i32 to index
      %get3A_337 = tpu.vector_load %arg12[%get3A] {strides = array<i32>} : memref<512xf32, #tpu.memory_space<vmem>>, vector<16xf32>,
      %add3A_338 = arith.addf %add3A_334, %get3A_337 : vector<16xf32>
      %max3A = arith.constant -1.000000e+01 : f32
      %max3A_339 = vector.broadcast %max3A : f32 to vector<16xf32>
      %max3A_340 = arith.maximumf %add3A_338, %max3A_339 : vector<16xf32>
      %min3A = arith.constant 1.000000e+01 : f32
      %min3A_341 = vector.broadcast %min3A : f32 to vector<16xf32>
      %min3A_342 = arith.minimumf %max3A_340, %min3A_341 : vector<16xf32>
      %add3A_343 = arith.constant 384 : i32
      %add3A_344 = arith.addi %add3A_343, %mul3A_253 : i32
      %swap3A = arith.index_cast %add3A_344 : i32 to index
      %swap3A_345 = tpu.vector_load %arg13[%swap3A] {strides = array<i32>} : memref<512xf32, #tpu.memory_space<vmem>>, vector<16xf32>,
      tpu.vector_store %arg13[%swap3A], %min3A_342 {strides = array<i32>} : memref<512xf32, #tpu.memory_space<vmem>>, vector<16xf32>,
    }
    %scan3A_218 = arith.constant 8 : i32
    %dma_start3A_219 = tpu.memref_slice %arg6[%mul3A_5] : memref<16384xf32, #tpu.memory_space<hbm>> -> memref<512xf32, #tpu.memory_space<hbm>>
    %dma_start3A_220 = tpu.memref_slice %arg6[%mul3A_5] : memref<16384xf32, #tpu.memory_space<hbm>> -> memref<512xf32, #tpu.memory_space<hbm>>
    tpu.enqueue_dma source(%arg13 : memref<512xf32, #tpu.memory_space<vmem>>) target(%dma_start3A_220 : memref<512xf32, #tpu.memory_space<hbm>>) target_semaphore(%arg38 : memref<!tpu.dma_semaphore, #tpu.memory_space<semaphore_mem>>)
    %dma_start3A_221 = tpu.memref_slice %arg9[%mul3A_5] : memref<16384xf32, #tpu.memory_space<hbm>> -> memref<512xf32, #tpu.memory_space<hbm>>
    %dma_start3A_222 = tpu.memref_slice %arg9[%mul3A_5] : memref<16384xf32, #tpu.memory_space<hbm>> -> memref<512xf32, #tpu.memory_space<hbm>>
    tpu.enqueue_dma source(%arg12 : memref<512xf32, #tpu.memory_space<vmem>>) target(%dma_start3A_222 : memref<512xf32, #tpu.memory_space<hbm>>) target_semaphore(%arg38 : memref<!tpu.dma_semaphore, #tpu.memory_space<semaphore_mem>>)
    %dma_wait3A_223 = arith.constant 0 : i32
    %dma_wait3A_224 = tpu.memref_slice %arg7[%add3A_128, %dma_wait3A_223] : memref<16384x128xf32, #tpu.memory_space<hbm>> -> memref<128x128xf32, #tpu.memory_space<hbm>>
    %dma_wait3A_225 = arith.constant 0 : i32
    %dma_wait3A_226 = tpu.memref_slice %arg7[%add3A_128, %dma_wait3A_225] : memref<16384x128xf32, #tpu.memory_space<hbm>> -> memref<128x128xf32, #tpu.memory_space<hbm>>
    tpu.wait_dma2 semaphore(%arg30 : memref<!tpu.dma_semaphore, #tpu.memory_space<semaphore_mem>>) src(%arg16 : memref<128x128xf32, #tpu.memory_space<vmem>>) dst(%dma_wait3A_226 : memref<128x128xf32, #tpu.memory_space<hbm>>)
    %dma_wait3A_227 = arith.constant 0 : i32
    %dma_wait3A_228 = tpu.memref_slice %arg8[%add3A_134, %dma_wait3A_227] : memref<16384x128xf32, #tpu.memory_space<hbm>> -> memref<128x128xf32, #tpu.memory_space<hbm>>
    %dma_wait3A_229 = arith.constant 0 : i32
    %dma_wait3A_230 = tpu.memref_slice %arg8[%add3A_134, %dma_wait3A_229] : memref<16384x128xf32, #tpu.memory_space<hbm>> -> memref<128x128xf32, #tpu.memory_space<hbm>>
    tpu.wait_dma2 semaphore(%arg34 : memref<!tpu.dma_semaphore, #tpu.memory_space<semaphore_mem>>) src(%arg19 : memref<128x128xf32, #tpu.memory_space<vmem>>) dst(%dma_wait3A_230 : memref<128x128xf32, #tpu.memory_space<hbm>>)
    %dma_wait3A_231 = arith.constant 0 : i32
    %dma_wait3A_232 = tpu.memref_slice %arg7[%add3A_174, %dma_wait3A_231] : memref<16384x128xf32, #tpu.memory_space<hbm>> -> memref<128x128xf32, #tpu.memory_space<hbm>>
    %dma_wait3A_233 = arith.constant 0 : i32
    %dma_wait3A_234 = tpu.memref_slice %arg7[%add3A_174, %dma_wait3A_233] : memref<16384x128xf32, #tpu.memory_space<hbm>> -> memref<128x128xf32, #tpu.memory_space<hbm>>
    tpu.wait_dma2 semaphore(%arg31 : memref<!tpu.dma_semaphore, #tpu.memory_space<semaphore_mem>>) src(%arg17 : memref<128x128xf32, #tpu.memory_space<vmem>>) dst(%dma_wait3A_234 : memref<128x128xf32, #tpu.memory_space<hbm>>)
    %dma_wait3A_235 = arith.constant 0 : i32
    %dma_wait3A_236 = tpu.memref_slice %arg8[%add3A_180, %dma_wait3A_235] : memref<16384x128xf32, #tpu.memory_space<hbm>> -> memref<128x128xf32, #tpu.memory_space<hbm>>
    %dma_wait3A_237 = arith.constant 0 : i32
    %dma_wait3A_238 = tpu.memref_slice %arg8[%add3A_180, %dma_wait3A_237] : memref<16384x128xf32, #tpu.memory_space<hbm>> -> memref<128x128xf32, #tpu.memory_space<hbm>>
    tpu.wait_dma2 semaphore(%arg35 : memref<!tpu.dma_semaphore, #tpu.memory_space<semaphore_mem>>) src(%arg20 : memref<128x128xf32, #tpu.memory_space<vmem>>) dst(%dma_wait3A_238 : memref<128x128xf32, #tpu.memory_space<hbm>>)
    %dma_wait3A_239 = arith.constant 0 : i32
    %dma_wait3A_240 = tpu.memref_slice %arg7[%add3A_202, %dma_wait3A_239] : memref<16384x128xf32, #tpu.memory_space<hbm>> -> memref<128x128xf32, #tpu.memory_space<hbm>>
    %dma_wait3A_241 = arith.constant 0 : i32
    %dma_wait3A_242 = tpu.memref_slice %arg7[%add3A_202, %dma_wait3A_241] : memref<16384x128xf32, #tpu.memory_space<hbm>> -> memref<128x128xf32, #tpu.memory_space<hbm>>
    tpu.wait_dma2 semaphore(%arg32 : memref<!tpu.dma_semaphore, #tpu.memory_space<semaphore_mem>>) src(%arg15 : memref<128x128xf32, #tpu.memory_space<vmem>>) dst(%dma_wait3A_242 : memref<128x128xf32, #tpu.memory_space<hbm>>)
    %dma_wait3A_243 = arith.constant 0 : i32
    %dma_wait3A_244 = tpu.memref_slice %arg8[%add3A_208, %dma_wait3A_243] : memref<16384x128xf32, #tpu.memory_space<hbm>> -> memref<128x128xf32, #tpu.memory_space<hbm>>
    %dma_wait3A_245 = arith.constant 0 : i32
    %dma_wait3A_246 = tpu.memref_slice %arg8[%add3A_208, %dma_wait3A_245] : memref<16384x128xf32, #tpu.memory_space<hbm>> -> memref<128x128xf32, #tpu.memory_space<hbm>>
    tpu.wait_dma2 semaphore(%arg36 : memref<!tpu.dma_semaphore, #tpu.memory_space<semaphore_mem>>) src(%arg18 : memref<128x128xf32, #tpu.memory_space<vmem>>) dst(%dma_wait3A_246 : memref<128x128xf32, #tpu.memory_space<hbm>>)
    %dma_wait3A_247 = tpu.memref_slice %arg6[%mul3A_5] : memref<16384xf32, #tpu.memory_space<hbm>> -> memref<512xf32, #tpu.memory_space<hbm>>
    %dma_wait3A_248 = tpu.memref_slice %arg6[%mul3A_5] : memref<16384xf32, #tpu.memory_space<hbm>> -> memref<512xf32, #tpu.memory_space<hbm>>
    tpu.wait_dma2 semaphore(%arg38 : memref<!tpu.dma_semaphore, #tpu.memory_space<semaphore_mem>>) src(%arg13 : memref<512xf32, #tpu.memory_space<vmem>>) dst(%dma_wait3A_248 : memref<512xf32, #tpu.memory_space<hbm>>)
    %dma_wait3A_249 = tpu.memref_slice %arg9[%mul3A_5] : memref<16384xf32, #tpu.memory_space<hbm>> -> memref<512xf32, #tpu.memory_space<hbm>>
    %dma_wait3A_250 = tpu.memref_slice %arg9[%mul3A_5] : memref<16384xf32, #tpu.memory_space<hbm>> -> memref<512xf32, #tpu.memory_space<hbm>>
    tpu.wait_dma2 semaphore(%arg38 : memref<!tpu.dma_semaphore, #tpu.memory_space<semaphore_mem>>) src(%arg12 : memref<512xf32, #tpu.memory_space<vmem>>) dst(%dma_wait3A_250 : memref<512xf32, #tpu.memory_space<hbm>>)
    return
  }
}

</mosaic_0001>

<sc_bundles>
// kernel: kernel.3.cloned.1.call-start
scs
__scs_entry_jumppad:
0x0: {  	(pc) =	sbr.rel $0x88, $3  }
0x1: {  	(tag) =	ssettag $0x0;
	lr =	simm.s32 $0x1  }
0x2: {  	[smem:$0x3F9D] =	sst lr;
	_ =	strace $0xD0000000  }
0x3: {  	_ = 	snop  }
0x4: {  	_ = 	snop  }
0x5: {  	_ = 	snop  }
0x6: {  	_ = 	snop  }
0x7: {  	_ = 	snop  }
__scs_overlays_trampoline_lowered:
0x8: {  	[smem:$0x3FAC] =	sst s0  }
0x9: {  	[smem:$0x3FAD] =	sst s1  }
0xa: {  	[smem:$0x3FAE] =	sst s2  }
0xb: {  	[smem:$0x3FAF] =	sst s3  }
0xc: {  	[smem:$0x3FB0] =	sst s4  }
0xd: {  	[smem:$0x3FB1] =	sst s5  }
0xe: {  	[smem:$0x3FB2] =	sst s6  }
0xf: {  	[smem:$0x3FB3] =	sst s7  }
0x10: {  	[smem:$0x3FB4] =	sst s8  }
0x11: {  	[smem:$0x3FB5] =	sst s9;
	s0 =	simm.s32 @!p0 $0x0  }
0x12: {  	s1 =	sld [smem:$0x3F9B];
	s0 =	simm.s32 @p0 $0x1  }
0x13: {  	[smem:$0x3FB6] =	sst s0;
	s0 =	simm.s32 @!p1 $0x0  }
0x14: {  	s2 =	sld [smem:$0x3F9A];
	s0 =	simm.s32 @p1 $0x1  }
0x15: {  	[smem:$0x3FB7] =	sst s0;
	s0 =	simm.s32 @!p2 $0x0  }
0x16: {  	s3 =	sld [smem:$0x3FDB];
	s0 =	simm.s32 @p2 $0x1  }
0x17: {  	s4 =	simm.s32 $0x1BF5;
	[smem:$0x3FB9] =	sst s0  }
0x18: {  	s0 =	sld [smem:$0x3F9C];
	_ =	swait.ge [sflag:s4], $0x0  }
0x19: {  	s7 =	sld [smem:$0x3F9D]  }
0x1a: {  	s8 =	sadd.s32 $0xFFFFE003, lr  }
0x1b: {  	s9 =	sadd.s32 $0xFFFFFEF7, lr;
	s5 =	simm.s32 $0xFFFFFFFF;
	p2 =	slt.u32 s8, $0xFFFFF086  }
0x1c: {  	p1 =	slt.u32 s9, $0xF7A;
	s5 =	simm.s32 @!p2 $0x0  }
0x1d: {  	s5 =	simm.s32 @p1 $0x1;
	p0 =	seq.s32 s7, s2  }
0x1e: {  	s7 =	smul.u32 @!p0 $0xF7A, s2;
	p2 =	seq.s32 @!p0 s5, $0x0  }
0x1f: {  	s9 =	smul.u32 $0xF7A, s1;
	s8 =	simm.s32 @!p0 $0x1BF5;
	p2 =	por !p2, p0  }
0x20: {  	[sflag:s8] =	ssyncset.s32 @!p0 $0xFFFFF086;
	s6 =	sadd.s32 @!p0 s3, s7;
	s7 =	simm.s32 @!p0 $0x108  }
0x21: {  	s3 =	sadd.s32 s3, s9;
	s6 =	sadd.s32 @!p0 $0x88, s6;
	s7 =	simm.s32 @p2 $0x1082  }
0x22: {  	[simem:s7], [sflag:s8] =	dma.local @!p0 [hbm:s6], $0xF7A  }
0x23: {  	s9 =	sor.u32 $0xD0000000, s2;
	s6 =	simm.s32 $0x108;
	_ =	swait.ge @!p0 [sflag:s8], $0x0  }
0x24: {  	s3 =	sadd.s32 $0x88, s3;
	s6 =	simm.s32 @!p1 $0x1082;
	[sflag:s4] =	ssyncset.s32 $0xFFFFF086  }
0x25: {  	[simem:s6], [sflag:s4] =	dma.local [hbm:s3], $0xF7A  }
0x26: {  	[smem:$0x3F9D] =	sst s1;
	(tag) =	ssettag s2;
	_ =	strace s9  }
0x27: {  	s1 =	sld [smem:$0x3FAD]  }
0x28: {  	s2 =	sld [smem:$0x3FAE]  }
0x29: {  	s4 =	sld [smem:$0x3FB0]  }
0x2a: {  	p0 =	seq.s32 s5, $0x0;
	s5 =	sld [smem:$0x3FB1]  }
0x2b: {  	s6 =	sld [smem:$0x3FB2]  }
0x2c: {  	s7 =	sld [smem:$0x3FB3]  }
0x2d: {  	s3 =	simm.s32 $0x108;
	s8 =	sld [smem:$0x3FB4]  }
0x2e: {  	s3 =	simm.s32 @!p0 $0x1082;
	s9 =	sld [smem:$0x3FB5]  }
0x2f: {  	lr =	sadd.s32 s0, s3;
	s0 =	sld [smem:$0x3FAC]  }
0x30: {  	s3 =	sld [smem:$0x3FAF]  }
0x31: {  	[smem:$0x3FB8] =	sst s10  }
0x32: {  	s10 =	sld [smem:$0x3FB6];
	_ =	sdelay $0x3  }
0x33: {  	p0 =	seq.s32 s10, $0x1;
	s10 =	sld [smem:$0x3FB8];
	_ =	sdelay $0x3  }
0x34: {  	[smem:$0x3FB8] =	sst s10  }
0x35: {  	s10 =	sld [smem:$0x3FB7];
	_ =	sdelay $0x3  }
0x36: {  	p1 =	seq.s32 s10, $0x1;
	s10 =	sld [smem:$0x3FB8];
	_ =	sdelay $0x3  }
0x37: {  	[smem:$0x3FB8] =	sst s10  }
0x38: {  	s10 =	sld [smem:$0x3FB9]  }
0x39: {  	_ = 	snop;
	(pc) =	sbr.ind lr, $3  }
0x3a: {  	_ = 	snop  }
0x3b: {  	_ = 	snop  }
0x3c: {  	p2 =	seq.s32 s10, $0x1;
	s10 =	sld [smem:$0x3FB8]  }
0x3d: {  	_ =	shalt  }
0x3e: {  	_ =	shalt  }
0x3f: {  	_ =	shalt  }
0x40: {  	_ =	shalt  }
0x41: {  	_ =	shalt  }
0x42: {  	_ =	shalt  }
0x43: {  	_ =	shalt  }
0x44: {  	_ =	shalt  }
0x45: {  	_ =	shalt  }
0x46: {  	_ =	shalt  }
0x47: {  	_ =	shalt  }
0x48: {  	_ =	shalt  }
0x49: {  	_ =	shalt  }
0x4a: {  	_ =	shalt  }
0x4b: {  	_ =	shalt  }
0x4c: {  	_ =	shalt  }
0x4d: {  	_ =	shalt  }
0x4e: {  	_ =	shalt  }
0x4f: {  	_ =	shalt  }
0x50: {  	_ =	shalt  }
0x51: {  	_ =	shalt  }
0x52: {  	_ =	shalt  }
0x53: {  	_ =	shalt  }
0x54: {  	_ =	shalt  }
0x55: {  	_ =	shalt  }
0x56: {  	_ =	shalt  }
0x57: {  	_ =	shalt  }
0x58: {  	_ =	shalt  }
0x59: {  	_ =	shalt  }
0x5a: {  	_ =	shalt  }
0x5b: {  	_ =	shalt  }
0x5c: {  	_ =	shalt  }
0x5d: {  	_ =	shalt  }
0x5e: {  	_ =	shalt  }
0x5f: {  	_ =	shalt  }
0x60: {  	_ =	shalt  }
0x61: {  	_ =	shalt  }
0x62: {  	_ =	shalt  }
0x63: {  	_ =	shalt  }
0x64: {  	_ =	shalt  }
0x65: {  	_ =	shalt  }
0x66: {  	_ =	shalt  }
0x67: {  	_ =	shalt  }
0x68: {  	_ =	shalt  }
0x69: {  	_ =	shalt  }
0x6a: {  	_ =	shalt  }
0x6b: {  	_ =	shalt  }
0x6c: {  	_ =	shalt  }
0x6d: {  	_ =	shalt  }
0x6e: {  	_ =	shalt  }
0x6f: {  	_ =	shalt  }
0x70: {  	_ =	shalt  }
0x71: {  	_ =	shalt  }
0x72: {  	_ =	shalt  }
0x73: {  	_ =	shalt  }
0x74: {  	_ =	shalt  }
0x75: {  	_ =	shalt  }
0x76: {  	_ =	shalt  }
0x77: {  	_ =	shalt  }
0x78: {  	_ =	shalt  }
0x79: {  	_ =	shalt  }
0x7a: {  	_ =	shalt  }
0x7b: {  	_ =	shalt  }
0x7c: {  	_ =	shalt  }
0x7d: {  	_ =	shalt  }
0x7e: {  	_ =	shalt  }
0x7f: {  	_ =	shalt  }
0x80: {  	_ =	shalt  }
0x81: {  	_ =	shalt  }
0x82: {  	_ =	shalt  }
0x83: {  	_ =	shalt  }
0x84: {  	_ =	shalt  }
0x85: {  	_ =	shalt  }
0x86: {  	_ =	shalt  }
0x87: {  	_ =	shalt  }
.Lfunc_end0:
.L_simem_size_0:
called_computation_lowered:
.L_overlay_start_0:
0x88: {  	s2 =	sld [smem:$0x3FD9]  }
0x89: {  	s3 =	sld [smem:$0x3FFE];
	_ =	sdelay $0x1  }
0x8a: {  	s1 =	srdreg.scid  }
0x8b: {  	s0 =	sand.u32 $0x1, s1  }
0x8c: {  	s15 =	sshll.u32 s0, $0xA;
	s2 =	sadd.s32 s3, s2  }
0x8d: {  	s2 =	sadd.s32 s2, s15  }
0x8e: {  	[smem:$0x3FC4] =	sst s2  }
0x8f: {  	_ = 	snop  }
0x90: {  	s2 =	sld [smem:$0x3FC9]  }
0x91: {  	s16 =	sld [smem:$0x3FD0]  }
0x92: {  	s4 =	sld [smem:$0x3FC8]  }
0x93: {  	s5 =	sld [smem:$0x3FC7]  }
0x94: {  	s7 =	simm.s32 $0xA;
	s8 =	simm.s32 $0x10;
	s6 =	sld [smem:$0x3FC6]  }
0x95: {  	[smem:s8], [sflag:s7] =	dma.local [hbm:s16], $0x1  }
0x96: {  	_ =	swait.eq [sflag:s7], $0x1  }
0x97: {  	s17 =	sld [smem:$0x10]  }
0x98: {  	s18 =	sld [smem:$0x11];
	[sflag:s7] =	ssyncset.done $0x0  }
0x99: {  	s9 =	sld [smem:$0x12];
	[sflag:s7] =	ssyncadd.s32 $0xFFFFFFFF  }
0x9a: {  	s19 =	sld [smem:$0x13];
	(tm) =	ssettm $0x1  }
0x9b: {  	s10 =	sld [smem:$0x3FFB];
	_ =	sdelay $0x3  }
0x9c: {  	_ =	strace s10  }
0x9d: {  	s10 =	sld [smem:$0x3FFC];
	_ =	sdelay $0x3  }
0x9e: {  	_ =	strace s10  }
0x9f: {  	s10 =	sld [smem:$0x3FFD];
	_ =	sdelay $0x3  }
0xa0: {  	_ =	strace s10  }
0xa1: {  	_ =	strace $0x8FFFFFFF  }
0xa2: {  	s20 =	sld [smem:$0x3FDB];
	_ =	sdelay $0x1  }
0xa3: {  	s11 =	simm.s32 $_scs_section_size  }
0xa4: {  	s12 =	simm.s32 $_size__tile_overlayer_lowered;
	s13 =	simm.s32 $_tile_overlayer_lowered  }
0xa5: {  	s23 =	simm.s32 $0x1BFF;
	s22 =	sshll.u32 s13, $0x1;
	s10 =	sadd.s32 s11, s20  }
0xa6: {  	s14 =	simm.s32 $0x0;
	s21 =	sshll.u32 s12, $0x1;
	s12 =	sadd.s32 s22, s10  }
0xa7: {  	[timem:s14], [sflag:s23] =	dma.local [hbm:s12], s21  }
0xa8: {  	_ =	swait.ge [sflag:s23], s21  }
0xa9: {  	s11 =	ssub.s32 $0x0, s21;
	[sflag:s23] =	ssyncset.done $0x0  }
0xaa: {  	[sflag:s23] =	ssyncadd.s32 s11;
	_ =	sdelay $0x1  }
0xab: {  	s24 =	simm.s32 $0x1B8B  }
0xac: {  	_ =	swait.ge [sflag:s24], $0x1  }
0xad: {  	[sflag:s24] =	ssyncset.done $0x0  }
0xae: {  	s25 =	simm.s32 $0x1B8E;
	[sflag:s24] =	ssyncadd.s32 $0xFFFFFFFF  }
0xaf: {  	s26 =	simm.s32 $execute0_lowered;
	[smem:$0x3FD2] =	sst s25  }
0xb0: {  	s11 =	sshll.u32 s26, $0x1;
	_ =	strace $0x80000046;
	[dreg:$0x1] =	wrdreg $0xFFFFFFFF  }
0xb1: {  	s28 =	simm.s32 $_size_execute0_lowered;
	s10 =	sadd.s32 s10, s11;
	[dreg:$0x0] =	wrdreg $0x0  }
0xb2: {  	s11 =	sshll.u32 s28, $0x1;
	[dreg:$0x2] =	wrdreg s10  }
0xb3: {  	[dreg:$0x3] =	wrdreg s11  }
0xb4: {  	[dreg:$0x4] =	wrdreg $0xC0  }
0xb5: {  	_ =	task [dreg:s14], $0x5FFFF  }
0xb6: {  	[dreg:$0x1] =	wrdreg $0xFFFFFFFF  }
0xb7: {  	[dreg:$0x0] =	wrdreg $0x60  }
0xb8: {  	[dreg:$0x2] =	wrdreg s2  }
0xb9: {  	[dreg:$0x3] =	wrdreg s4  }
0xba: {  	[dreg:$0x4] =	wrdreg s5  }
0xbb: {  	[dreg:$0x5] =	wrdreg s6  }
0xbc: {  	[dreg:$0x6] =	wrdreg s17  }
0xbd: {  	[dreg:$0x7] =	wrdreg s18  }
0xbe: {  	[dreg:$0x8] =	wrdreg s9  }
0xbf: {  	[dreg:$0x9] =	wrdreg s19  }
0xc0: {  	[dreg:$0xa] =	wrdreg $0x9  }
0xc1: {  	_ =	task.clear_ibuf [dreg:s14], $0xBFFFF;
	_ =	strace $0x90000046  }
0xc2: {  	s29 =	simm.s32 $0x9;
	_ =	strace $0x80000048  }
0xc3: {  	_ =	swait.ge [sflag:s29], $0x1  }
0xc4: {  	[sflag:s29] =	ssyncadd.s32 $0xFFFFFFFF  }
0xc5: {  	_ =	strace $0x90000048  }
0xc6: {  	_ =	sfence  }
0xc7: {  	s30 =	sld [smem:$0x0];
	_ =	sdelay $0x2  }
0xc8: {  	s31 =	sshll.u32 s1, $0xD;
	s1 =	sshrl.u32 s1, $0x2  }
0xc9: {  	s3 =	sand.u32 $0x4000, s31;
	s1 =	sadd.s32 s1, s30  }
0xca: {  	s0 =	sor.u32 s3, s0;
	s1 =	sshll.u32 s1, $0x11  }
0xcb: {  	s0 =	sor.u32 s1, s0  }
0xcc: {  	s0 =	sadd.s32 $0x8F2B, s0  }
0xcd: {  	[sflag:s0] =	ssyncadd.remote.s32 $0x1  }
0xce: {  	_ =	sfence.sel $0xFFFF  }
0xcf: {  	[dreg:$0x0] =	wrdreg $0xFFFFFFFF;
	(pc) =	sbr.abs _section_cstart, $3  }
0xd0: {  	[dreg:$0x1] =	wrdreg $0xFFFFFFFF  }
0xd1: {  	_ =	task.clear_ibuf [dreg:s14], $0x2FFFF;
	_ =	strace $0x9FFFFFFF  }
0xd2: {  	(tm) =	ssettm $0x7FFFFFFF  }
0xd3: {  	_ =	shalt  }
tec
execute0_lowered:
.L_overlay_start_1:
0x0: {  	(tag) =	ssettag $0x1  }
0x1: {  	s1 =	rddreg [dreg:$0x0]  }
0x2: {  	s2 =	rddreg [dreg:$0x1]  }
0x3: {  	s0 =	rddreg [dreg:$0x2]  }
0x4: {  	s3 =	rddreg [dreg:$0x4]  }
0x5: {  	s5 =	rddreg [dreg:$0x5]  }
0x6: {  	s6 =	rddreg [dreg:$0x6]  }
0x7: {  	s7 =	rddreg [dreg:$0x7]  }
0x8: {  	s4 =	srdreg.scid;
	s9 =	stileid.u32;
	s28 =	simm.s32 $0xE  }
0x9: {  	s29 =	simm.s32 $0xF;
	s30 =	simm.s32 $0x10;
	s8 =	sand.u32 $0x1, s4  }
0xa: {  	s4 =	simm.s32 $0x0;
	s9 =	sshll.u32 s9, $0xA;
	s10 =	sshll.u32 s8, $0x9  }
0xb: {  	[smem:$0x7FF] =	sst s4;
	s8 =	ssub.s32 $0x2, s8;
	s9 =	sor.u32 s10, s9  }
0xc: {  	_ =	strace $0x80000047;
	s14 =	sshrl.u32 s8, $0x1;
	s10 =	simm.s32 $0x7  }
0xd: {  	s11 =	sor.u32 $0x80, s9;
	s8 =	ssub.s32 s8, s14;
	s15 =	sshrl.u32 s9, $0x3  }
0xe: {  	s18 =	sshll.u32 s9, $0x4;
	s14 =	simm.s32 $0xB;
	s12 =	sshrl.u32 s11, $0x3  }
0xf: {  	s13 =	sadd.s32 s1, s15;
	s16 =	sadd.s32 s2, s15;
	s19 =	sshll.u32 s11, $0x4  }
0x10: {  	s9 =	sadd.s32 s5, s18;
	s20 =	sadd.s32 s6, s18;
	[dreg:$0x9] =	wrdreg s13  }
0x11: {  	s22 =	sor.u32 $0x1000, s18;
	s25 =	sadd.s32 s3, s15;
	[dreg:$0xa] =	wrdreg s16  }
0x12: {  	s26 =	sadd.s32 s7, s15;
	s31 =	smax.u32 s8, $0x1;
	[dreg:$0xd] =	wrdreg s9  }
0x13: {  	s7 =	simm.s32 $0x6;
	s8 =	simm.s32 $0x9;
	[dreg:$0xe] =	wrdreg s20  }
0x14: {  	s11 =	simm.s32 $0x4;
	s15 =	simm.s32 $0xC;
	[dreg:$0x15] =	wrdreg s25  }
0x15: {  	s1 =	sadd.s32 s1, s12;
	s17 =	sadd.s32 s2, s12;
	[dreg:$0x16] =	wrdreg s26  }
0x16: {  	s21 =	sadd.s32 s5, s19;
	s2 =	sadd.s32 s6, s19;
	[dreg:$0x17] =	wrdreg s31  }
0x17: {  	s23 =	sadd.s32 s5, s22;
	s25 =	simm.s32 $0xC900;
	[dreg:$0xb] =	wrdreg s1  }
0x18: {  	v0 =	vlaneseq.u32;
	s26 =	simm.s32 $0x11;
	s9 =	simm.s32 $0xD;
	[dreg:$0xc] =	wrdreg s17  }
0x19: {  	v0 =	vmul.u32 $0x10, v0;
	s12 =	simm.s32 $0x8;
	s13 =	simm.s32 $0xA;
	[dreg:$0xf] =	wrdreg s21  }
0x1a: {  	s16 =	simm.s32 $0x0;
	[dreg:$0x10] =	wrdreg s2;
	s1 =	sor.u32 $0x1800, s18  }
0x1b: {  	v1 =	vor.u32 $0x1, v0;
	v2 =	vor.u32 $0x2, v0;
	v3 =	vor.u32 $0x3, v0;
	[dreg:$0x11] =	wrdreg s23;
	s2 =	sadd.s32 s6, s22;
	s21 =	simm.s32 $0x80  }
0x1c: {  	v4 =	vor.u32 $0x4, v0;
	v5 =	vor.u32 $0x5, v0;
	v6 =	vor.u32 $0x6, v0;
	s23 =	simm.s32 $0x12;
	s18 =	simm.s32 $0x400;
	s22 =	simm.s32 $0x3  }
0x1d: {  	v7 =	vor.u32 $0x7, v0;
	v8 =	vor.u32 $0x8, v0;
	v9 =	vor.u32 $0x9, v0;
	[dreg:$0x12] =	wrdreg s2;
	s24 =	sadd.s32 s5, s1;
	s1 =	sadd.s32 s6, s1  }
0x1e: {  	v10 =	vor.u32 $0xA, v0;
	v11 =	vor.u32 $0xB, v0;
	v12 =	vor.u32 $0xC, v0;
	s5 =	simm.s32 $0x800;
	s6 =	simm.s32 $0x2;
	[dreg:$0x13] =	wrdreg s24  }
0x1f: {  	v13 =	vor.u32 $0xD, v0;
	v14 =	vor.u32 $0xE, v0;
	v15 =	vor.u32 $0xF, v0;
	[dreg:$0x14] =	wrdreg s1;
	s24 =	simm.s32 $0x900;
	s1 =	simm.s32 $0x5  }
.LBB2_1:
0x20: {  	s2 =	rddreg [dreg:$0x9]  }
0x21: {  	[tilespmem:s4], [sflag:$0x12] =	stream.linear.gather [hbm4b:s2+s4], $0x80, $0x38;
	[tilespmem:$0x18900] =	vst v63  }
0x22: {  	s17 =	rddreg [dreg:$0xa];
	s3 =	simm.s32 $0x200  }
0x23: {  	[tilespmem:s3], [sflag:$0x12] =	stream.linear.gather [hbm4b:s17+s4], $0x80, $0x38;
	[tilespmem:$0x18900] =	vst v63  }
0x24: {  	s19 =	rddreg [dreg:$0xb]  }
0x25: {  	[tilespmem:s21], [sflag:$0x11] =	stream.linear.gather [hbm4b:s19+s4], $0x180, $0x38;
	[tilespmem:$0x18900] =	vst v63  }
0x26: {  	s20 =	rddreg [dreg:$0xc];
	s17 =	simm.s32 $0x280  }
0x27: {  	[tilespmem:s17], [sflag:$0x11] =	stream.linear.gather [hbm4b:s20+s4], $0x180, $0x38;
	[tilespmem:$0x18900] =	vst v63  }
0x28: {  	_ =	swait.ge [sflag:s23], $0x80  }
0x29: {  	[sflag:s23] =	ssyncset.done $0x0  }
0x2a: {  	[sflag:s23] =	ssyncadd.s32 $0xFFFFFF80  }
0x2b: {  	_ =	swait.ge [sflag:s23], $0x80  }
0x2c: {  	[sflag:s23] =	ssyncset.done $0x0  }
0x2d: {  	[sflag:s23] =	ssyncadd.s32 $0xFFFFFF80  }
0x2e: {  	[tilespmem:s24], [sflag:$0x1] =	stream.indirect.gather [hbm4b:s0+s21], $0x80, s4, s21, $0xb8;
	[tilespmem:$0x18900] =	vst v63  }
0x2f: {  	_ = 	snop  }
0x30: {  	[tilespmem:s25], [sflag:$0x5] =	stream.indirect.gather [hbm4b:s0+s21], $0x80, s3, s21, $0xb8;
	[tilespmem:$0x18900] =	vst v63  }
0x31: {  	_ =	swait.ge [sflag:s26], $0x180  }
0x32: {  	[sflag:s26] =	ssyncset.done $0x0  }
0x33: {  	[sflag:s26] =	ssyncadd.s32 $0xFFFFFE80  }
0x34: {  	_ =	swait.ge [sflag:s26], $0x180  }
0x35: {  	[sflag:s26] =	ssyncset.done $0x0  }
0x36: {  	s31 =	simm.s32 $0x4900;
	[sflag:s26] =	ssyncadd.s32 $0xFFFFFE80  }
0x37: {  	[tilespmem:s31], [sflag:$0x2] =	stream.indirect.gather [hbm4b:s0+s21], $0x80, s21, s21, $0xb8;
	[tilespmem:$0x18900] =	vst v63  }
0x38: {  	s19 =	simm.s32 $0x10900  }
0x39: {  	[tilespmem:s19], [sflag:$0x6] =	stream.indirect.gather [hbm4b:s0+s21], $0x80, s17, s21, $0xb8;
	[tilespmem:$0x18900] =	vst v63  }
0x3a: {  	s20 =	rddreg [dreg:$0x3]  }
0x3b: {  	[tilespmem:s18], [sflag:$0x11] =	stream.indirect.gather [hbm4b:s20+s3], $0x1, s3, s3, $0xb8;
	[tilespmem:$0x18900] =	vst v63  }
0x3c: {  	_ =	swait.ge [sflag:s26], $0x200  }
0x3d: {  	[sflag:s26] =	ssyncset.done $0x0  }
0x3e: {  	s31 =	simm.s32 $0x1;
	[sflag:s26] =	ssyncadd.s32 $0xFFFFFE00  }
0x3f: {  	_ =	swait.ge [sflag:s31], $0x4000  }
0x40: {  	[sflag:s31] =	ssyncset.done $0x0  }
0x41: {  	[sflag:s31] =	ssyncadd.s32 $0xFFFFC000  }
0x42: {  	_ =	swait.ge [sflag:s1], $0x4000  }
0x43: {  	[sflag:s1] =	ssyncset.done $0x0  }
0x44: {  	s3 =	rddreg [dreg:$0xd];
	[sflag:s1] =	ssyncadd.s32 $0xFFFFC000  }
0x45: {  	[hbm4b:s3+s4] =	stream.linear.scatter [tilespmem:s24], [sflag:$0x9], $0x4000, $0x38;
	[tilespmem:$0x18900] =	vst v63  }
0x46: {  	s19 =	simm.s32 $0x8900;
	s17 =	rddreg [dreg:$0xe]  }
0x47: {  	[hbm4b:s17+s4] =	stream.linear.scatter [tilespmem:s25], [sflag:$0xD], $0x4000, $0x38;
	[tilespmem:$0x18900] =	vst v63  }
0x48: {  	s18 =	simm.s32 $0x100;
	s20 =	simm.s32 $0x300;
	s31 =	simm.s32 $0x14900  }
0x49: {  	[tilespmem:s19], [sflag:$0x3] =	stream.indirect.gather [hbm4b:s0+s21], $0x80, s18, s21, $0xb8;
	[tilespmem:$0x18900] =	vst v63  }
0x4a: {  	s17 =	simm.s32 $0x940;
	s18 =	simm.s32 $0xC970;
	s19 =	simm.s32 $0x0  }
0x4b: {  	[tilespmem:s31], [sflag:$0x7] =	stream.indirect.gather [hbm4b:s0+s21], $0x80, s20, s21, $0xb8;
	[tilespmem:$0x18900] =	vst v63  }
.LBB2_2:
0x4c: {  	v16 =	vmov s18  }
0x4d: {  	v17 =	vmov s17;
	_ =	sdelay $0x2  }
0x4e: {  	s2 =	simm.s32 $0x0  }
0x4f: {  	v18 =	vld.idx.msk [tilespmem:v16+s2+$0xFFFFFF90 ss:$0x1], $0xffff  }
0x50: {  	v19 =	vld.idx.msk [tilespmem:v17+s2+$0xFFFFFFC0 ss:$0x1], $0xffff  }
0x51: {  	v20 =	vld.idx.msk [tilespmem:v17+s2+$0xFFFFFFD0 ss:$0x1], $0xffff  }
0x52: {  	v21 =	vld.idx.msk [tilespmem:v16+s2+$0xFFFFFFA0 ss:$0x1], $0xffff  }
0x53: {  	v22 =	vld.idx.msk [tilespmem:v17+s2+$0xFFFFFFE0 ss:$0x1], $0xffff  }
0x54: {  	v23 =	vld.idx.msk [tilespmem:v16+s2+$0xFFFFFFB0 ss:$0x1], $0xffff  }
0x55: {  	v24 =	vld.idx.msk [tilespmem:v17+s2+$0xFFFFFFF0 ss:$0x1], $0xffff  }
0x56: {  	v25 =	vld.idx.msk [tilespmem:v16+s2+$0xFFFFFFC0 ss:$0x1], $0xffff  }
0x57: {  	v26 =	vld.idx.msk [tilespmem:v17+s2+$0x0 ss:$0x1], $0xffff;
	v18 =	vmul.f32 v18, v19;
	v19 =	vmul.f32 v21, v20  }
0x58: {  	v20 =	vld.idx.msk [tilespmem:v16+s2+$0xFFFFFFD0 ss:$0x1], $0xffff  }
0x59: {  	v21 =	vld.idx.msk [tilespmem:v17+s2+$0x10 ss:$0x1], $0xffff;
	v18 =	vadd.f32 v19, v18;
	v19 =	vmul.f32 v23, v22  }
0x5a: {  	v22 =	vld.idx.msk [tilespmem:v16+s2+$0xFFFFFFE0 ss:$0x1], $0xffff  }
0x5b: {  	v62 =	vld.idx.msk [tilespmem:v16+s2+$0xFFFFFFF0 ss:$0x1], $0xffff;
	v18 =	vadd.f32 v19, v18;
	v19 =	vmul.f32 v25, v24  }
0x5c: {  	v23 =	vld.idx.msk [tilespmem:v17+s2+$0x20 ss:$0x1], $0xffff  }
0x5d: {  	v63 =	vld.idx.msk [tilespmem:v17+s2+$0x30 ss:$0x1], $0xffff;
	v18 =	vadd.f32 v19, v18;
	v19 =	vmul.f32 v20, v26  }
0x5e: {  	v20 =	vld.idx.msk [tilespmem:v16+s2+$0x0 ss:$0x1], $0xffff  }
0x5f: {  	v18 =	vadd.f32 v19, v18;
	v19 =	vmul.f32 v22, v21;
	_ =	sdelay $0x1  }
0x60: {  	v18 =	vadd.f32 v19, v18;
	v19 =	vmul.f32 v62, v23;
	_ =	sdelay $0x1  }
0x61: {  	v18 =	vadd.f32 v19, v18;
	v19 =	vmul.f32 v20, v63;
	_ =	sdelay $0x1  }
0x62: {  	v18 =	vadd.f32 v19, v18  }
0x63: {  	s3 =	simm.s32 $0x800  }
0x64: {  	s20 =	simm.s32 $0x80;
	[tilespmem:s3+$0x0] =	vst v18  }
0x65: {  	v18 =	vld.idx.msk [tilespmem:v16+s20+$0xFFFFFF90 ss:$0x1], $0xffff  }
0x66: {  	v19 =	vld.idx.msk [tilespmem:v17+s20+$0xFFFFFFC0 ss:$0x1], $0xffff  }
0x67: {  	s31 =	simm.s32 $0x400;
	s2 =	sshll.u32 s19, $0x4;
	v20 =	vld.idx.msk [tilespmem:v17+s20+$0xFFFFFFD0 ss:$0x1], $0xffff  }
.LBB2_3:
0x68: {  	p0 =	sne.s32 s31, $0x1E00;
	v21 =	vld.idx.msk [tilespmem:v16+s20+$0xFFFFFFA0 ss:$0x1], $0xffff  }
0x69: {  	v22 =	vld.idx.msk [tilespmem:v17+s20+$0xFFFFFFE0 ss:$0x1], $0xffff  }
0x6a: {  	v23 =	vld.idx.msk [tilespmem:v16+s20+$0xFFFFFFB0 ss:$0x1], $0xffff  }
0x6b: {  	v24 =	vld.idx.msk [tilespmem:v17+s20+$0xFFFFFFF0 ss:$0x1], $0xffff  }
0x6c: {  	v25 =	vld.idx.msk [tilespmem:v16+s20+$0xFFFFFFC0 ss:$0x1], $0xffff  }
0x6d: {  	v26 =	vld.idx.msk [tilespmem:v17+s20+$0x0 ss:$0x1], $0xffff  }
0x6e: {  	v18 =	vmul.f32 v18, v19;
	v19 =	vmul.f32 v21, v20;
	v20 =	vld.idx.msk [tilespmem:v16+s20+$0xFFFFFFD0 ss:$0x1], $0xffff  }
0x6f: {  	v21 =	vld.idx.msk [tilespmem:v17+s20+$0x10 ss:$0x1], $0xffff  }
0x70: {  	v18 =	vadd.f32 v19, v18;
	v19 =	vmul.f32 v23, v22;
	v22 =	vld.idx.msk [tilespmem:v16+s20+$0xFFFFFFE0 ss:$0x1], $0xffff  }
0x71: {  	v23 =	vld.idx.msk [tilespmem:v17+s20+$0x20 ss:$0x1], $0xffff  }
0x72: {  	v18 =	vadd.f32 v19, v18;
	v19 =	vmul.f32 v25, v24;
	v24 =	vld.idx.msk [tilespmem:v16+s20+$0xFFFFFFF0 ss:$0x1], $0xffff  }
0x73: {  	v25 =	vld.idx.msk [tilespmem:v17+s20+$0x30 ss:$0x1], $0xffff  }
0x74: {  	v18 =	vadd.f32 v19, v18;
	v19 =	vmul.f32 v20, v26;
	v20 =	vld.idx.msk [tilespmem:v16+s20+$0x0 ss:$0x1], $0xffff;
	_ =	sdelay $0x1  }
0x75: {  	v18 =	vadd.f32 v19, v18;
	v19 =	vmul.f32 v22, v21;
	_ =	sdelay $0x1  }
0x76: {  	v18 =	vadd.f32 v19, v18;
	v19 =	vmul.f32 v24, v23;
	_ =	sdelay $0x1  }
0x77: {  	v18 =	vadd.f32 v19, v18;
	v19 =	vmul.f32 v20, v25;
	_ =	sdelay $0x1  }
0x78: {  	v18 =	vadd.f32 v19, v18  }
.Ltmp0:
0x79: {  	s3 =	sadd.s32 $0x10, s3;
	(pc) =	sbr.rel @p0 .LBB2_3-.Ltmp0, $4  }
0x7a: {  	s20 =	sshra.s32 s31, $0x2;
	[tilespmem:s3+$0x0] =	vst v18  }
0x7b: {  	v18 =	vld.idx.msk [tilespmem:v16+s20+$0xFFFFFF90 ss:$0x1], $0xffff  }
0x7c: {  	v19 =	vld.idx.msk [tilespmem:v17+s20+$0xFFFFFFC0 ss:$0x1], $0xffff  }
0x7d: {  	s31 =	sadd.s32 $0x200, s31;
	v20 =	vld.idx.msk [tilespmem:v17+s20+$0xFFFFFFD0 ss:$0x1], $0xffff  }
0x7e: {  	_ =	sdelay $0x3  }
0x7f: {  	v21 =	vld.idx.msk [tilespmem:v16+s20+$0xFFFFFFA0 ss:$0x1], $0xffff  }
0x80: {  	v22 =	vld.idx.msk [tilespmem:v17+s20+$0xFFFFFFE0 ss:$0x1], $0xffff  }
0x81: {  	v23 =	vld.idx.msk [tilespmem:v16+s20+$0xFFFFFFB0 ss:$0x1], $0xffff  }
0x82: {  	v24 =	vld.idx.msk [tilespmem:v17+s20+$0xFFFFFFF0 ss:$0x1], $0xffff  }
0x83: {  	v25 =	vld.idx.msk [tilespmem:v16+s20+$0xFFFFFFC0 ss:$0x1], $0xffff  }
0x84: {  	v26 =	vld.idx.msk [tilespmem:v17+s20+$0x0 ss:$0x1], $0xffff;
	v18 =	vmul.f32 v18, v19;
	v43 =	vmul.f32 v21, v20  }
0x85: {  	v44 =	vld.idx.msk [tilespmem:v16+s20+$0xFFFFFFD0 ss:$0x1], $0xffff  }
0x86: {  	v45 =	vld.idx.msk [tilespmem:v17+s20+$0x10 ss:$0x1], $0xffff;
	v46 =	vmul.f32 v23, v22;
	v18 =	vadd.f32 v43, v18  }
0x87: {  	v47 =	vld.idx.msk [tilespmem:v16+s20+$0xFFFFFFE0 ss:$0x1], $0xffff  }
0x88: {  	v48 =	vld.idx.msk [tilespmem:v17+s20+$0x20 ss:$0x1], $0xffff;
	v49 =	vmul.f32 v25, v24;
	v18 =	vadd.f32 v46, v18  }
0x89: {  	v50 =	vld.idx.msk [tilespmem:v16+s20+$0xFFFFFFF0 ss:$0x1], $0xffff  }
0x8a: {  	v17 =	vld.idx.msk [tilespmem:v17+s20+$0x30 ss:$0x1], $0xffff;
	v51 =	vmul.f32 v44, v26;
	v18 =	vadd.f32 v49, v18  }
0x8b: {  	v16 =	vld.idx.msk [tilespmem:v16+s20+$0x0 ss:$0x1], $0xffff  }
0x8c: {  	v52 =	vmul.f32 v47, v45;
	v18 =	vadd.f32 v51, v18;
	_ =	sdelay $0x1  }
0x8d: {  	v53 =	vmul.f32 v50, v48;
	v18 =	vadd.f32 v52, v18;
	_ =	sdelay $0x1  }
0x8e: {  	v16 =	vmul.f32 v16, v17;
	v18 =	vadd.f32 v53, v18;
	_ =	sdelay $0x1  }
0x8f: {  	v16 =	vadd.f32 v16, v18  }
0x90: {  	s3 =	sadd.s32 $0x10, s3  }
0x91: {  	[tilespmem:s3+$0x0] =	vst v16  }
0x92: {  	v16 =	vld.idx.msk [tilespmem:v0+s5+$0x0], $0xffff  }
0x93: {  	v17 =	vld.idx.msk [tilespmem:v1+s5+$0x0], $0xffff;
	_ =	sdelay $0x1  }
0x94: {  	v54 =	vld.idx.msk [tilespmem:v2+s5+$0x0], $0xffff;
	_ =	sdelay $0x1  }
0x95: {  	v55 =	vld.idx.msk [tilespmem:v3+s5+$0x0], $0xffff  }
0x96: {  	v16 =	vadd.f32 v17, v16  }
0x97: {  	v17 =	vld.idx.msk [tilespmem:v4+s5+$0x0], $0xffff  }
0x98: {  	v16 =	vadd.f32 v54, v16  }
0x99: {  	v56 =	vld.idx.msk [tilespmem:v5+s5+$0x0], $0xffff  }
0x9a: {  	v16 =	vadd.f32 v55, v16  }
0x9b: {  	v57 =	vld.idx.msk [tilespmem:v6+s5+$0x0], $0xffff  }
0x9c: {  	v16 =	vadd.f32 v17, v16  }
0x9d: {  	v17 =	vld.idx.msk [tilespmem:v7+s5+$0x0], $0xffff  }
0x9e: {  	v16 =	vadd.f32 v56, v16  }
0x9f: {  	v58 =	vld.idx.msk [tilespmem:v8+s5+$0x0], $0xffff  }
0xa0: {  	v16 =	vadd.f32 v57, v16  }
0xa1: {  	v59 =	vld.idx.msk [tilespmem:v9+s5+$0x0], $0xffff  }
0xa2: {  	v16 =	vadd.f32 v17, v16  }
0xa3: {  	v17 =	vld.idx.msk [tilespmem:v10+s5+$0x0], $0xffff  }
0xa4: {  	v16 =	vadd.f32 v58, v16  }
0xa5: {  	v60 =	vld.idx.msk [tilespmem:v11+s5+$0x0], $0xffff  }
0xa6: {  	v16 =	vadd.f32 v59, v16  }
0xa7: {  	v61 =	vld.idx.msk [tilespmem:v12+s5+$0x0], $0xffff  }
0xa8: {  	v16 =	vadd.f32 v17, v16  }
0xa9: {  	v17 =	vld.idx.msk [tilespmem:v13+s5+$0x0], $0xffff  }
0xaa: {  	v16 =	vadd.f32 v60, v16  }
0xab: {  	v62 =	vld.idx.msk [tilespmem:v14+s5+$0x0], $0xffff  }
0xac: {  	v16 =	vadd.f32 v61, v16  }
0xad: {  	v63 =	vld.idx.msk [tilespmem:v15+s5+$0x0], $0xffff  }
0xae: {  	v16 =	vadd.f32 v17, v16  }
0xaf: {  	v17 =	vld [tilespmem:s2+$0x400]  }
0xb0: {  	v16 =	vadd.f32 v62, v16;
	_ =	sdelay $0x1  }
0xb1: {  	s19 =	sadd.s32 $0x1, s19;
	v16 =	vadd.f32 v63, v16  }
0xb2: {  	p0 =	sne.s32 s19, $0x8  }
.Ltmp1:
0xb3: {  	v16 =	vadd.f32 v17, v16;
	(pc) =	sbr.rel @p0 .LBB2_2-.Ltmp1, $4  }
0xb4: {  	_ = 	snop  }
0xb5: {  	v16 =	vmax.f32 v16, $-1.000000000e+01  }
0xb6: {  	v16 =	vmin.f32 v16, $1.000000000e+01  }
0xb7: {  	s17 =	sadd.s32 $0x800, s17;
	s18 =	sadd.s32 $0x800, s18;
	[tilespmem:s2+$0x600] =	vst v16  }
0xb8: {  	_ =	swait.ge [sflag:s6], $0x4000  }
0xb9: {  	[sflag:s6] =	ssyncset.done $0x0  }
0xba: {  	[sflag:s6] =	ssyncadd.s32 $0xFFFFC000  }
0xbb: {  	_ =	swait.ge [sflag:s7], $0x4000  }
0xbc: {  	s17 =	simm.s32 $0x0;
	[sflag:s7] =	ssyncset.done $0x0  }
0xbd: {  	s3 =	simm.s32 $0x4900;
	s2 =	rddreg [dreg:$0xf];
	[sflag:s7] =	ssyncadd.s32 $0xFFFFC000  }
0xbe: {  	[hbm4b:s2+s17] =	stream.linear.scatter [tilespmem:s3], [sflag:$0xA], $0x4000, $0x38;
	[tilespmem:$0x18900] =	vst v63  }
0xbf: {  	s19 =	simm.s32 $0x10900;
	s18 =	rddreg [dreg:$0x10]  }
0xc0: {  	[hbm4b:s18+s17] =	stream.linear.scatter [tilespmem:s19], [sflag:$0xE], $0x4000, $0x38;
	[tilespmem:$0x18900] =	vst v63  }
0xc1: {  	_ =	swait.ge [sflag:s8], $0x4000  }
0xc2: {  	[sflag:s8] =	ssyncset.done $0x0  }
0xc3: {  	[sflag:s8] =	ssyncadd.s32 $0xFFFFC000  }
0xc4: {  	_ =	swait.ge [sflag:s9], $0x4000  }
0xc5: {  	[sflag:s9] =	ssyncset.done $0x0  }
0xc6: {  	s20 =	simm.s32 $0x180;
	[sflag:s9] =	ssyncadd.s32 $0xFFFFC000  }
0xc7: {  	[tilespmem:s24], [sflag:$0x4] =	stream.indirect.gather [hbm4b:s0+s21], $0x80, s20, s21, $0xb8;
	[tilespmem:$0x18900] =	vst v63  }
0xc8: {  	s31 =	simm.s32 $0x380;
	s18 =	simm.s32 $0x4940;
	s19 =	simm.s32 $0x10970  }
0xc9: {  	[tilespmem:s25], [sflag:$0x8] =	stream.indirect.gather [hbm4b:s0+s21], $0x80, s31, s21, $0xb8;
	[tilespmem:$0x18900] =	vst v63  }
.LBB2_6:
0xca: {  	v16 =	vmov s19  }
0xcb: {  	v17 =	vmov s18;
	_ =	sdelay $0x2  }
0xcc: {  	s2 =	simm.s32 $0x0  }
0xcd: {  	v18 =	vld.idx.msk [tilespmem:v16+s2+$0xFFFFFF90 ss:$0x1], $0xffff  }
0xce: {  	v19 =	vld.idx.msk [tilespmem:v17+s2+$0xFFFFFFC0 ss:$0x1], $0xffff  }
0xcf: {  	v20 =	vld.idx.msk [tilespmem:v17+s2+$0xFFFFFFD0 ss:$0x1], $0xffff  }
0xd0: {  	v21 =	vld.idx.msk [tilespmem:v16+s2+$0xFFFFFFA0 ss:$0x1], $0xffff  }
0xd1: {  	v22 =	vld.idx.msk [tilespmem:v17+s2+$0xFFFFFFE0 ss:$0x1], $0xffff  }
0xd2: {  	v23 =	vld.idx.msk [tilespmem:v16+s2+$0xFFFFFFB0 ss:$0x1], $0xffff  }
0xd3: {  	v24 =	vld.idx.msk [tilespmem:v17+s2+$0xFFFFFFF0 ss:$0x1], $0xffff  }
0xd4: {  	v25 =	vld.idx.msk [tilespmem:v16+s2+$0xFFFFFFC0 ss:$0x1], $0xffff  }
0xd5: {  	v26 =	vld.idx.msk [tilespmem:v17+s2+$0x0 ss:$0x1], $0xffff;
	v18 =	vmul.f32 v18, v19;
	v19 =	vmul.f32 v21, v20  }
0xd6: {  	v20 =	vld.idx.msk [tilespmem:v16+s2+$0xFFFFFFD0 ss:$0x1], $0xffff  }
0xd7: {  	v21 =	vld.idx.msk [tilespmem:v17+s2+$0x10 ss:$0x1], $0xffff;
	v18 =	vadd.f32 v19, v18;
	v19 =	vmul.f32 v23, v22  }
0xd8: {  	v22 =	vld.idx.msk [tilespmem:v16+s2+$0xFFFFFFE0 ss:$0x1], $0xffff  }
0xd9: {  	v62 =	vld.idx.msk [tilespmem:v16+s2+$0xFFFFFFF0 ss:$0x1], $0xffff;
	v18 =	vadd.f32 v19, v18;
	v19 =	vmul.f32 v25, v24  }
0xda: {  	v23 =	vld.idx.msk [tilespmem:v17+s2+$0x20 ss:$0x1], $0xffff  }
0xdb: {  	v63 =	vld.idx.msk [tilespmem:v17+s2+$0x30 ss:$0x1], $0xffff;
	v18 =	vadd.f32 v19, v18;
	v19 =	vmul.f32 v20, v26  }
0xdc: {  	v20 =	vld.idx.msk [tilespmem:v16+s2+$0x0 ss:$0x1], $0xffff  }
0xdd: {  	v18 =	vadd.f32 v19, v18;
	v19 =	vmul.f32 v22, v21;
	_ =	sdelay $0x1  }
0xde: {  	v18 =	vadd.f32 v19, v18;
	v19 =	vmul.f32 v62, v23;
	_ =	sdelay $0x1  }
0xdf: {  	v18 =	vadd.f32 v19, v18;
	v19 =	vmul.f32 v20, v63;
	_ =	sdelay $0x1  }
0xe0: {  	v18 =	vadd.f32 v19, v18  }
0xe1: {  	s3 =	simm.s32 $0x800  }
0xe2: {  	s20 =	simm.s32 $0x80;
	[tilespmem:s3+$0x0] =	vst v18  }
0xe3: {  	v18 =	vld.idx.msk [tilespmem:v16+s20+$0xFFFFFF90 ss:$0x1], $0xffff  }
0xe4: {  	v19 =	vld.idx.msk [tilespmem:v17+s20+$0xFFFFFFC0 ss:$0x1], $0xffff  }
0xe5: {  	s31 =	simm.s32 $0x400;
	s2 =	sshll.u32 s17, $0x4;
	v20 =	vld.idx.msk [tilespmem:v17+s20+$0xFFFFFFD0 ss:$0x1], $0xffff  }
.LBB2_7:
0xe6: {  	p0 =	sne.s32 s31, $0x1E00;
	v21 =	vld.idx.msk [tilespmem:v16+s20+$0xFFFFFFA0 ss:$0x1], $0xffff  }
0xe7: {  	v22 =	vld.idx.msk [tilespmem:v17+s20+$0xFFFFFFE0 ss:$0x1], $0xffff  }
0xe8: {  	v23 =	vld.idx.msk [tilespmem:v16+s20+$0xFFFFFFB0 ss:$0x1], $0xffff  }
0xe9: {  	v24 =	vld.idx.msk [tilespmem:v17+s20+$0xFFFFFFF0 ss:$0x1], $0xffff  }
0xea: {  	v25 =	vld.idx.msk [tilespmem:v16+s20+$0xFFFFFFC0 ss:$0x1], $0xffff  }
0xeb: {  	v26 =	vld.idx.msk [tilespmem:v17+s20+$0x0 ss:$0x1], $0xffff  }
0xec: {  	v18 =	vmul.f32 v18, v19;
	v19 =	vmul.f32 v21, v20;
	v20 =	vld.idx.msk [tilespmem:v16+s20+$0xFFFFFFD0 ss:$0x1], $0xffff  }
0xed: {  	v21 =	vld.idx.msk [tilespmem:v17+s20+$0x10 ss:$0x1], $0xffff  }
0xee: {  	v18 =	vadd.f32 v19, v18;
	v19 =	vmul.f32 v23, v22;
	v22 =	vld.idx.msk [tilespmem:v16+s20+$0xFFFFFFE0 ss:$0x1], $0xffff  }
0xef: {  	v23 =	vld.idx.msk [tilespmem:v17+s20+$0x20 ss:$0x1], $0xffff  }
0xf0: {  	v18 =	vadd.f32 v19, v18;
	v19 =	vmul.f32 v25, v24;
	v24 =	vld.idx.msk [tilespmem:v16+s20+$0xFFFFFFF0 ss:$0x1], $0xffff  }
0xf1: {  	v25 =	vld.idx.msk [tilespmem:v17+s20+$0x30 ss:$0x1], $0xffff  }
0xf2: {  	v18 =	vadd.f32 v19, v18;
	v19 =	vmul.f32 v20, v26;
	v20 =	vld.idx.msk [tilespmem:v16+s20+$0x0 ss:$0x1], $0xffff;
	_ =	sdelay $0x1  }
0xf3: {  	v18 =	vadd.f32 v19, v18;
	v19 =	vmul.f32 v22, v21;
	_ =	sdelay $0x1  }
0xf4: {  	v18 =	vadd.f32 v19, v18;
	v19 =	vmul.f32 v24, v23;
	_ =	sdelay $0x1  }
0xf5: {  	v18 =	vadd.f32 v19, v18;
	v19 =	vmul.f32 v20, v25;
	_ =	sdelay $0x1  }
0xf6: {  	v18 =	vadd.f32 v19, v18  }
.Ltmp2:
0xf7: {  	s3 =	sadd.s32 $0x10, s3;
	(pc) =	sbr.rel @p0 .LBB2_7-.Ltmp2, $4  }
0xf8: {  	s20 =	sshra.s32 s31, $0x2;
	[tilespmem:s3+$0x0] =	vst v18  }
0xf9: {  	v18 =	vld.idx.msk [tilespmem:v16+s20+$0xFFFFFF90 ss:$0x1], $0xffff  }
0xfa: {  	v19 =	vld.idx.msk [tilespmem:v17+s20+$0xFFFFFFC0 ss:$0x1], $0xffff  }
0xfb: {  	s31 =	sadd.s32 $0x200, s31;
	v20 =	vld.idx.msk [tilespmem:v17+s20+$0xFFFFFFD0 ss:$0x1], $0xffff  }
0xfc: {  	_ =	sdelay $0x3  }
0xfd: {  	v21 =	vld.idx.msk [tilespmem:v16+s20+$0xFFFFFFA0 ss:$0x1], $0xffff  }
0xfe: {  	v22 =	vld.idx.msk [tilespmem:v17+s20+$0xFFFFFFE0 ss:$0x1], $0xffff  }
0xff: {  	v23 =	vld.idx.msk [tilespmem:v16+s20+$0xFFFFFFB0 ss:$0x1], $0xffff  }
0x100: {  	v24 =	vld.idx.msk [tilespmem:v17+s20+$0xFFFFFFF0 ss:$0x1], $0xffff  }
0x101: {  	v25 =	vld.idx.msk [tilespmem:v16+s20+$0xFFFFFFC0 ss:$0x1], $0xffff  }
0x102: {  	v26 =	vld.idx.msk [tilespmem:v17+s20+$0x0 ss:$0x1], $0xffff;
	v18 =	vmul.f32 v18, v19;
	v43 =	vmul.f32 v21, v20  }
0x103: {  	v44 =	vld.idx.msk [tilespmem:v16+s20+$0xFFFFFFD0 ss:$0x1], $0xffff  }
0x104: {  	v45 =	vld.idx.msk [tilespmem:v17+s20+$0x10 ss:$0x1], $0xffff;
	v46 =	vmul.f32 v23, v22;
	v18 =	vadd.f32 v43, v18  }
0x105: {  	v47 =	vld.idx.msk [tilespmem:v16+s20+$0xFFFFFFE0 ss:$0x1], $0xffff  }
0x106: {  	v48 =	vld.idx.msk [tilespmem:v17+s20+$0x20 ss:$0x1], $0xffff;
	v49 =	vmul.f32 v25, v24;
	v18 =	vadd.f32 v46, v18  }
0x107: {  	v50 =	vld.idx.msk [tilespmem:v16+s20+$0xFFFFFFF0 ss:$0x1], $0xffff  }
0x108: {  	v17 =	vld.idx.msk [tilespmem:v17+s20+$0x30 ss:$0x1], $0xffff;
	v51 =	vmul.f32 v44, v26;
	v18 =	vadd.f32 v49, v18  }
0x109: {  	v16 =	vld.idx.msk [tilespmem:v16+s20+$0x0 ss:$0x1], $0xffff  }
0x10a: {  	v52 =	vmul.f32 v47, v45;
	v18 =	vadd.f32 v51, v18;
	_ =	sdelay $0x1  }
0x10b: {  	v53 =	vmul.f32 v50, v48;
	v18 =	vadd.f32 v52, v18;
	_ =	sdelay $0x1  }
0x10c: {  	v16 =	vmul.f32 v16, v17;
	v18 =	vadd.f32 v53, v18;
	_ =	sdelay $0x1  }
0x10d: {  	v16 =	vadd.f32 v16, v18  }
0x10e: {  	s3 =	sadd.s32 $0x10, s3  }
0x10f: {  	[tilespmem:s3+$0x0] =	vst v16  }
0x110: {  	v16 =	vld.idx.msk [tilespmem:v0+s5+$0x0], $0xffff  }
0x111: {  	v17 =	vld.idx.msk [tilespmem:v1+s5+$0x0], $0xffff;
	_ =	sdelay $0x1  }
0x112: {  	v54 =	vld.idx.msk [tilespmem:v2+s5+$0x0], $0xffff;
	_ =	sdelay $0x1  }
0x113: {  	v55 =	vld.idx.msk [tilespmem:v3+s5+$0x0], $0xffff  }
0x114: {  	v16 =	vadd.f32 v17, v16  }
0x115: {  	v17 =	vld.idx.msk [tilespmem:v4+s5+$0x0], $0xffff  }
0x116: {  	v16 =	vadd.f32 v54, v16  }
0x117: {  	v56 =	vld.idx.msk [tilespmem:v5+s5+$0x0], $0xffff  }
0x118: {  	v16 =	vadd.f32 v55, v16  }
0x119: {  	v57 =	vld.idx.msk [tilespmem:v6+s5+$0x0], $0xffff  }
0x11a: {  	v16 =	vadd.f32 v17, v16  }
0x11b: {  	v17 =	vld.idx.msk [tilespmem:v7+s5+$0x0], $0xffff  }
0x11c: {  	v16 =	vadd.f32 v56, v16  }
0x11d: {  	v58 =	vld.idx.msk [tilespmem:v8+s5+$0x0], $0xffff  }
0x11e: {  	v16 =	vadd.f32 v57, v16  }
0x11f: {  	v59 =	vld.idx.msk [tilespmem:v9+s5+$0x0], $0xffff  }
0x120: {  	v16 =	vadd.f32 v17, v16  }
0x121: {  	v17 =	vld.idx.msk [tilespmem:v10+s5+$0x0], $0xffff  }
0x122: {  	v16 =	vadd.f32 v58, v16  }
0x123: {  	v60 =	vld.idx.msk [tilespmem:v11+s5+$0x0], $0xffff  }
0x124: {  	v16 =	vadd.f32 v59, v16  }
0x125: {  	v61 =	vld.idx.msk [tilespmem:v12+s5+$0x0], $0xffff  }
0x126: {  	v16 =	vadd.f32 v17, v16  }
0x127: {  	v17 =	vld.idx.msk [tilespmem:v13+s5+$0x0], $0xffff  }
0x128: {  	v16 =	vadd.f32 v60, v16  }
0x129: {  	v62 =	vld.idx.msk [tilespmem:v14+s5+$0x0], $0xffff  }
0x12a: {  	v16 =	vadd.f32 v61, v16  }
0x12b: {  	v63 =	vld.idx.msk [tilespmem:v15+s5+$0x0], $0xffff  }
0x12c: {  	v16 =	vadd.f32 v17, v16  }
0x12d: {  	v17 =	vld [tilespmem:s2+$0x480]  }
0x12e: {  	v16 =	vadd.f32 v62, v16;
	_ =	sdelay $0x1  }
0x12f: {  	s17 =	sadd.s32 $0x1, s17;
	v16 =	vadd.f32 v63, v16  }
0x130: {  	p0 =	sne.s32 s17, $0x8  }
.Ltmp3:
0x131: {  	v16 =	vadd.f32 v17, v16;
	(pc) =	sbr.rel @p0 .LBB2_6-.Ltmp3, $4  }
0x132: {  	_ = 	snop  }
0x133: {  	v16 =	vmax.f32 v16, $-1.000000000e+01  }
0x134: {  	v16 =	vmin.f32 v16, $1.000000000e+01  }
0x135: {  	s18 =	sadd.s32 $0x800, s18;
	s19 =	sadd.s32 $0x800, s19;
	[tilespmem:s2+$0x680] =	vst v16  }
0x136: {  	_ =	swait.ge [sflag:s22], $0x4000  }
0x137: {  	[sflag:s22] =	ssyncset.done $0x0  }
0x138: {  	[sflag:s22] =	ssyncadd.s32 $0xFFFFC000  }
0x139: {  	_ =	swait.ge [sflag:s10], $0x4000  }
0x13a: {  	s17 =	simm.s32 $0x0;
	s3 =	simm.s32 $0x8900;
	[sflag:s10] =	ssyncset.done $0x0  }
0x13b: {  	s31 =	simm.s32 $0x14900;
	s2 =	rddreg [dreg:$0x11];
	[sflag:s10] =	ssyncadd.s32 $0xFFFFC000  }
0x13c: {  	[hbm4b:s2+s17] =	stream.linear.scatter [tilespmem:s3], [sflag:$0xB], $0x4000, $0x38;
	[tilespmem:$0x18900] =	vst v63  }
0x13d: {  	s18 =	simm.s32 $0x8940;
	s19 =	simm.s32 $0x14970;
	s20 =	rddreg [dreg:$0x12]  }
0x13e: {  	[hbm4b:s20+s17] =	stream.linear.scatter [tilespmem:s31], [sflag:$0xF], $0x4000, $0x38;
	[tilespmem:$0x18900] =	vst v63  }
.LBB2_10:
0x13f: {  	v16 =	vmov s19  }
0x140: {  	v17 =	vmov s18;
	_ =	sdelay $0x2  }
0x141: {  	s2 =	simm.s32 $0x0  }
0x142: {  	v18 =	vld.idx.msk [tilespmem:v16+s2+$0xFFFFFF90 ss:$0x1], $0xffff  }
0x143: {  	v19 =	vld.idx.msk [tilespmem:v17+s2+$0xFFFFFFC0 ss:$0x1], $0xffff  }
0x144: {  	v20 =	vld.idx.msk [tilespmem:v17+s2+$0xFFFFFFD0 ss:$0x1], $0xffff  }
0x145: {  	v21 =	vld.idx.msk [tilespmem:v16+s2+$0xFFFFFFA0 ss:$0x1], $0xffff  }
0x146: {  	v22 =	vld.idx.msk [tilespmem:v17+s2+$0xFFFFFFE0 ss:$0x1], $0xffff  }
0x147: {  	v23 =	vld.idx.msk [tilespmem:v16+s2+$0xFFFFFFB0 ss:$0x1], $0xffff  }
0x148: {  	v24 =	vld.idx.msk [tilespmem:v17+s2+$0xFFFFFFF0 ss:$0x1], $0xffff  }
0x149: {  	v25 =	vld.idx.msk [tilespmem:v16+s2+$0xFFFFFFC0 ss:$0x1], $0xffff  }
0x14a: {  	v26 =	vld.idx.msk [tilespmem:v17+s2+$0x0 ss:$0x1], $0xffff;
	v18 =	vmul.f32 v18, v19;
	v19 =	vmul.f32 v21, v20  }
0x14b: {  	v20 =	vld.idx.msk [tilespmem:v16+s2+$0xFFFFFFD0 ss:$0x1], $0xffff  }
0x14c: {  	v21 =	vld.idx.msk [tilespmem:v17+s2+$0x10 ss:$0x1], $0xffff;
	v18 =	vadd.f32 v19, v18;
	v19 =	vmul.f32 v23, v22  }
0x14d: {  	v22 =	vld.idx.msk [tilespmem:v16+s2+$0xFFFFFFE0 ss:$0x1], $0xffff  }
0x14e: {  	v62 =	vld.idx.msk [tilespmem:v16+s2+$0xFFFFFFF0 ss:$0x1], $0xffff;
	v18 =	vadd.f32 v19, v18;
	v19 =	vmul.f32 v25, v24  }
0x14f: {  	v23 =	vld.idx.msk [tilespmem:v17+s2+$0x20 ss:$0x1], $0xffff  }
0x150: {  	v63 =	vld.idx.msk [tilespmem:v17+s2+$0x30 ss:$0x1], $0xffff;
	v18 =	vadd.f32 v19, v18;
	v19 =	vmul.f32 v20, v26  }
0x151: {  	v20 =	vld.idx.msk [tilespmem:v16+s2+$0x0 ss:$0x1], $0xffff  }
0x152: {  	v18 =	vadd.f32 v19, v18;
	v19 =	vmul.f32 v22, v21;
	_ =	sdelay $0x1  }
0x153: {  	v18 =	vadd.f32 v19, v18;
	v19 =	vmul.f32 v62, v23;
	_ =	sdelay $0x1  }
0x154: {  	v18 =	vadd.f32 v19, v18;
	v19 =	vmul.f32 v20, v63;
	_ =	sdelay $0x1  }
0x155: {  	v18 =	vadd.f32 v19, v18  }
0x156: {  	s3 =	simm.s32 $0x800  }
0x157: {  	s20 =	simm.s32 $0x80;
	[tilespmem:s3+$0x0] =	vst v18  }
0x158: {  	v18 =	vld.idx.msk [tilespmem:v16+s20+$0xFFFFFF90 ss:$0x1], $0xffff  }
0x159: {  	v19 =	vld.idx.msk [tilespmem:v17+s20+$0xFFFFFFC0 ss:$0x1], $0xffff  }
0x15a: {  	s31 =	simm.s32 $0x400;
	s2 =	sshll.u32 s17, $0x4;
	v20 =	vld.idx.msk [tilespmem:v17+s20+$0xFFFFFFD0 ss:$0x1], $0xffff  }
.LBB2_11:
0x15b: {  	p0 =	sne.s32 s31, $0x1E00;
	v21 =	vld.idx.msk [tilespmem:v16+s20+$0xFFFFFFA0 ss:$0x1], $0xffff  }
0x15c: {  	v22 =	vld.idx.msk [tilespmem:v17+s20+$0xFFFFFFE0 ss:$0x1], $0xffff  }
0x15d: {  	v23 =	vld.idx.msk [tilespmem:v16+s20+$0xFFFFFFB0 ss:$0x1], $0xffff  }
0x15e: {  	v24 =	vld.idx.msk [tilespmem:v17+s20+$0xFFFFFFF0 ss:$0x1], $0xffff  }
0x15f: {  	v25 =	vld.idx.msk [tilespmem:v16+s20+$0xFFFFFFC0 ss:$0x1], $0xffff  }
0x160: {  	v26 =	vld.idx.msk [tilespmem:v17+s20+$0x0 ss:$0x1], $0xffff  }
0x161: {  	v18 =	vmul.f32 v18, v19;
	v19 =	vmul.f32 v21, v20;
	v20 =	vld.idx.msk [tilespmem:v16+s20+$0xFFFFFFD0 ss:$0x1], $0xffff  }
0x162: {  	v21 =	vld.idx.msk [tilespmem:v17+s20+$0x10 ss:$0x1], $0xffff  }
0x163: {  	v18 =	vadd.f32 v19, v18;
	v19 =	vmul.f32 v23, v22;
	v22 =	vld.idx.msk [tilespmem:v16+s20+$0xFFFFFFE0 ss:$0x1], $0xffff  }
0x164: {  	v23 =	vld.idx.msk [tilespmem:v17+s20+$0x20 ss:$0x1], $0xffff  }
0x165: {  	v18 =	vadd.f32 v19, v18;
	v19 =	vmul.f32 v25, v24;
	v24 =	vld.idx.msk [tilespmem:v16+s20+$0xFFFFFFF0 ss:$0x1], $0xffff  }
0x166: {  	v25 =	vld.idx.msk [tilespmem:v17+s20+$0x30 ss:$0x1], $0xffff  }
0x167: {  	v18 =	vadd.f32 v19, v18;
	v19 =	vmul.f32 v20, v26;
	v20 =	vld.idx.msk [tilespmem:v16+s20+$0x0 ss:$0x1], $0xffff;
	_ =	sdelay $0x1  }
0x168: {  	v18 =	vadd.f32 v19, v18;
	v19 =	vmul.f32 v22, v21;
	_ =	sdelay $0x1  }
0x169: {  	v18 =	vadd.f32 v19, v18;
	v19 =	vmul.f32 v24, v23;
	_ =	sdelay $0x1  }
0x16a: {  	v18 =	vadd.f32 v19, v18;
	v19 =	vmul.f32 v20, v25;
	_ =	sdelay $0x1  }
0x16b: {  	v18 =	vadd.f32 v19, v18  }
.Ltmp4:
0x16c: {  	s3 =	sadd.s32 $0x10, s3;
	(pc) =	sbr.rel @p0 .LBB2_11-.Ltmp4, $4  }
0x16d: {  	s20 =	sshra.s32 s31, $0x2;
	[tilespmem:s3+$0x0] =	vst v18  }
0x16e: {  	v18 =	vld.idx.msk [tilespmem:v16+s20+$0xFFFFFF90 ss:$0x1], $0xffff  }
0x16f: {  	v19 =	vld.idx.msk [tilespmem:v17+s20+$0xFFFFFFC0 ss:$0x1], $0xffff  }
0x170: {  	s31 =	sadd.s32 $0x200, s31;
	v20 =	vld.idx.msk [tilespmem:v17+s20+$0xFFFFFFD0 ss:$0x1], $0xffff  }
0x171: {  	_ =	sdelay $0x3  }
0x172: {  	v21 =	vld.idx.msk [tilespmem:v16+s20+$0xFFFFFFA0 ss:$0x1], $0xffff  }
0x173: {  	v22 =	vld.idx.msk [tilespmem:v17+s20+$0xFFFFFFE0 ss:$0x1], $0xffff  }
0x174: {  	v23 =	vld.idx.msk [tilespmem:v16+s20+$0xFFFFFFB0 ss:$0x1], $0xffff  }
0x175: {  	v24 =	vld.idx.msk [tilespmem:v17+s20+$0xFFFFFFF0 ss:$0x1], $0xffff  }
0x176: {  	v25 =	vld.idx.msk [tilespmem:v16+s20+$0xFFFFFFC0 ss:$0x1], $0xffff  }
0x177: {  	v26 =	vld.idx.msk [tilespmem:v17+s20+$0x0 ss:$0x1], $0xffff;
	v18 =	vmul.f32 v18, v19;
	v43 =	vmul.f32 v21, v20  }
0x178: {  	v44 =	vld.idx.msk [tilespmem:v16+s20+$0xFFFFFFD0 ss:$0x1], $0xffff  }
0x179: {  	v45 =	vld.idx.msk [tilespmem:v17+s20+$0x10 ss:$0x1], $0xffff;
	v46 =	vmul.f32 v23, v22;
	v18 =	vadd.f32 v43, v18  }
0x17a: {  	v47 =	vld.idx.msk [tilespmem:v16+s20+$0xFFFFFFE0 ss:$0x1], $0xffff  }
0x17b: {  	v48 =	vld.idx.msk [tilespmem:v17+s20+$0x20 ss:$0x1], $0xffff;
	v49 =	vmul.f32 v25, v24;
	v18 =	vadd.f32 v46, v18  }
0x17c: {  	v50 =	vld.idx.msk [tilespmem:v16+s20+$0xFFFFFFF0 ss:$0x1], $0xffff  }
0x17d: {  	v17 =	vld.idx.msk [tilespmem:v17+s20+$0x30 ss:$0x1], $0xffff;
	v51 =	vmul.f32 v44, v26;
	v18 =	vadd.f32 v49, v18  }
0x17e: {  	v16 =	vld.idx.msk [tilespmem:v16+s20+$0x0 ss:$0x1], $0xffff  }
0x17f: {  	v52 =	vmul.f32 v47, v45;
	v18 =	vadd.f32 v51, v18;
	_ =	sdelay $0x1  }
0x180: {  	v53 =	vmul.f32 v50, v48;
	v18 =	vadd.f32 v52, v18;
	_ =	sdelay $0x1  }
0x181: {  	v16 =	vmul.f32 v16, v17;
	v18 =	vadd.f32 v53, v18;
	_ =	sdelay $0x1  }
0x182: {  	v16 =	vadd.f32 v16, v18  }
0x183: {  	s3 =	sadd.s32 $0x10, s3  }
0x184: {  	[tilespmem:s3+$0x0] =	vst v16  }
0x185: {  	v16 =	vld.idx.msk [tilespmem:v0+s5+$0x0], $0xffff  }
0x186: {  	v17 =	vld.idx.msk [tilespmem:v1+s5+$0x0], $0xffff;
	_ =	sdelay $0x1  }
0x187: {  	v54 =	vld.idx.msk [tilespmem:v2+s5+$0x0], $0xffff;
	_ =	sdelay $0x1  }
0x188: {  	v55 =	vld.idx.msk [tilespmem:v3+s5+$0x0], $0xffff  }
0x189: {  	v16 =	vadd.f32 v17, v16  }
0x18a: {  	v17 =	vld.idx.msk [tilespmem:v4+s5+$0x0], $0xffff  }
0x18b: {  	v16 =	vadd.f32 v54, v16  }
0x18c: {  	v56 =	vld.idx.msk [tilespmem:v5+s5+$0x0], $0xffff  }
0x18d: {  	v16 =	vadd.f32 v55, v16  }
0x18e: {  	v57 =	vld.idx.msk [tilespmem:v6+s5+$0x0], $0xffff  }
0x18f: {  	v16 =	vadd.f32 v17, v16  }
0x190: {  	v17 =	vld.idx.msk [tilespmem:v7+s5+$0x0], $0xffff  }
0x191: {  	v16 =	vadd.f32 v56, v16  }
0x192: {  	v58 =	vld.idx.msk [tilespmem:v8+s5+$0x0], $0xffff  }
0x193: {  	v16 =	vadd.f32 v57, v16  }
0x194: {  	v59 =	vld.idx.msk [tilespmem:v9+s5+$0x0], $0xffff  }
0x195: {  	v16 =	vadd.f32 v17, v16  }
0x196: {  	v17 =	vld.idx.msk [tilespmem:v10+s5+$0x0], $0xffff  }
0x197: {  	v16 =	vadd.f32 v58, v16  }
0x198: {  	v60 =	vld.idx.msk [tilespmem:v11+s5+$0x0], $0xffff  }
0x199: {  	v16 =	vadd.f32 v59, v16  }
0x19a: {  	v61 =	vld.idx.msk [tilespmem:v12+s5+$0x0], $0xffff  }
0x19b: {  	v16 =	vadd.f32 v17, v16  }
0x19c: {  	v17 =	vld.idx.msk [tilespmem:v13+s5+$0x0], $0xffff  }
0x19d: {  	v16 =	vadd.f32 v60, v16  }
0x19e: {  	v62 =	vld.idx.msk [tilespmem:v14+s5+$0x0], $0xffff  }
0x19f: {  	v16 =	vadd.f32 v61, v16  }
0x1a0: {  	v63 =	vld.idx.msk [tilespmem:v15+s5+$0x0], $0xffff  }
0x1a1: {  	v16 =	vadd.f32 v17, v16  }
0x1a2: {  	v17 =	vld [tilespmem:s2+$0x500]  }
0x1a3: {  	v16 =	vadd.f32 v62, v16;
	_ =	sdelay $0x1  }
0x1a4: {  	s17 =	sadd.s32 $0x1, s17;
	v16 =	vadd.f32 v63, v16  }
0x1a5: {  	p0 =	sne.s32 s17, $0x8  }
.Ltmp5:
0x1a6: {  	v16 =	vadd.f32 v17, v16;
	(pc) =	sbr.rel @p0 .LBB2_10-.Ltmp5, $4  }
0x1a7: {  	_ = 	snop  }
0x1a8: {  	v16 =	vmax.f32 v16, $-1.000000000e+01  }
0x1a9: {  	v16 =	vmin.f32 v16, $1.000000000e+01  }
0x1aa: {  	s18 =	sadd.s32 $0x800, s18;
	s19 =	sadd.s32 $0x800, s19;
	[tilespmem:s2+$0x700] =	vst v16  }
0x1ab: {  	_ =	swait.ge [sflag:s11], $0x4000  }
0x1ac: {  	[sflag:s11] =	ssyncset.done $0x0  }
0x1ad: {  	[sflag:s11] =	ssyncadd.s32 $0xFFFFC000  }
0x1ae: {  	_ =	swait.ge [sflag:s12], $0x4000  }
0x1af: {  	[sflag:s12] =	ssyncset.done $0x0  }
0x1b0: {  	s17 =	simm.s32 $0x0;
	s2 =	rddreg [dreg:$0x13];
	[sflag:s12] =	ssyncadd.s32 $0xFFFFC000  }
0x1b1: {  	[hbm4b:s2+s17] =	stream.linear.scatter [tilespmem:s24], [sflag:$0xC], $0x4000, $0x38;
	[tilespmem:$0x18900] =	vst v63  }
0x1b2: {  	s18 =	simm.s32 $0x940;
	s19 =	simm.s32 $0xC970;
	s31 =	rddreg [dreg:$0x14]  }
0x1b3: {  	[hbm4b:s31+s17] =	stream.linear.scatter [tilespmem:s25], [sflag:$0x10], $0x4000, $0x38;
	[tilespmem:$0x18900] =	vst v63  }
.LBB2_14:
0x1b4: {  	v16 =	vmov s19  }
0x1b5: {  	v17 =	vmov s18;
	_ =	sdelay $0x2  }
0x1b6: {  	s2 =	simm.s32 $0x0  }
0x1b7: {  	v18 =	vld.idx.msk [tilespmem:v16+s2+$0xFFFFFF90 ss:$0x1], $0xffff  }
0x1b8: {  	v19 =	vld.idx.msk [tilespmem:v17+s2+$0xFFFFFFC0 ss:$0x1], $0xffff  }
0x1b9: {  	v20 =	vld.idx.msk [tilespmem:v17+s2+$0xFFFFFFD0 ss:$0x1], $0xffff  }
0x1ba: {  	v21 =	vld.idx.msk [tilespmem:v16+s2+$0xFFFFFFA0 ss:$0x1], $0xffff  }
0x1bb: {  	v22 =	vld.idx.msk [tilespmem:v17+s2+$0xFFFFFFE0 ss:$0x1], $0xffff  }
0x1bc: {  	v23 =	vld.idx.msk [tilespmem:v16+s2+$0xFFFFFFB0 ss:$0x1], $0xffff  }
0x1bd: {  	v24 =	vld.idx.msk [tilespmem:v17+s2+$0xFFFFFFF0 ss:$0x1], $0xffff  }
0x1be: {  	v25 =	vld.idx.msk [tilespmem:v16+s2+$0xFFFFFFC0 ss:$0x1], $0xffff  }
0x1bf: {  	v26 =	vld.idx.msk [tilespmem:v17+s2+$0x0 ss:$0x1], $0xffff;
	v18 =	vmul.f32 v18, v19;
	v19 =	vmul.f32 v21, v20  }
0x1c0: {  	v20 =	vld.idx.msk [tilespmem:v16+s2+$0xFFFFFFD0 ss:$0x1], $0xffff  }
0x1c1: {  	v21 =	vld.idx.msk [tilespmem:v17+s2+$0x10 ss:$0x1], $0xffff;
	v18 =	vadd.f32 v19, v18;
	v19 =	vmul.f32 v23, v22  }
0x1c2: {  	v22 =	vld.idx.msk [tilespmem:v16+s2+$0xFFFFFFE0 ss:$0x1], $0xffff  }
0x1c3: {  	v62 =	vld.idx.msk [tilespmem:v16+s2+$0xFFFFFFF0 ss:$0x1], $0xffff;
	v18 =	vadd.f32 v19, v18;
	v19 =	vmul.f32 v25, v24  }
0x1c4: {  	v23 =	vld.idx.msk [tilespmem:v17+s2+$0x20 ss:$0x1], $0xffff  }
0x1c5: {  	v63 =	vld.idx.msk [tilespmem:v17+s2+$0x30 ss:$0x1], $0xffff;
	v18 =	vadd.f32 v19, v18;
	v19 =	vmul.f32 v20, v26  }
0x1c6: {  	v20 =	vld.idx.msk [tilespmem:v16+s2+$0x0 ss:$0x1], $0xffff  }
0x1c7: {  	v18 =	vadd.f32 v19, v18;
	v19 =	vmul.f32 v22, v21;
	_ =	sdelay $0x1  }
0x1c8: {  	v18 =	vadd.f32 v19, v18;
	v19 =	vmul.f32 v62, v23;
	_ =	sdelay $0x1  }
0x1c9: {  	v18 =	vadd.f32 v19, v18;
	v19 =	vmul.f32 v20, v63;
	_ =	sdelay $0x1  }
0x1ca: {  	v18 =	vadd.f32 v19, v18  }
0x1cb: {  	s3 =	simm.s32 $0x800  }
0x1cc: {  	s20 =	simm.s32 $0x80;
	[tilespmem:s3+$0x0] =	vst v18  }
0x1cd: {  	v18 =	vld.idx.msk [tilespmem:v16+s20+$0xFFFFFF90 ss:$0x1], $0xffff  }
0x1ce: {  	v19 =	vld.idx.msk [tilespmem:v17+s20+$0xFFFFFFC0 ss:$0x1], $0xffff  }
0x1cf: {  	s31 =	simm.s32 $0x400;
	s2 =	sshll.u32 s17, $0x4;
	v20 =	vld.idx.msk [tilespmem:v17+s20+$0xFFFFFFD0 ss:$0x1], $0xffff  }
.LBB2_15:
0x1d0: {  	p0 =	sne.s32 s31, $0x1E00;
	v21 =	vld.idx.msk [tilespmem:v16+s20+$0xFFFFFFA0 ss:$0x1], $0xffff  }
0x1d1: {  	v22 =	vld.idx.msk [tilespmem:v17+s20+$0xFFFFFFE0 ss:$0x1], $0xffff  }
0x1d2: {  	v23 =	vld.idx.msk [tilespmem:v16+s20+$0xFFFFFFB0 ss:$0x1], $0xffff  }
0x1d3: {  	v24 =	vld.idx.msk [tilespmem:v17+s20+$0xFFFFFFF0 ss:$0x1], $0xffff  }
0x1d4: {  	v25 =	vld.idx.msk [tilespmem:v16+s20+$0xFFFFFFC0 ss:$0x1], $0xffff  }
0x1d5: {  	v26 =	vld.idx.msk [tilespmem:v17+s20+$0x0 ss:$0x1], $0xffff  }
0x1d6: {  	v18 =	vmul.f32 v18, v19;
	v19 =	vmul.f32 v21, v20;
	v20 =	vld.idx.msk [tilespmem:v16+s20+$0xFFFFFFD0 ss:$0x1], $0xffff  }
0x1d7: {  	v21 =	vld.idx.msk [tilespmem:v17+s20+$0x10 ss:$0x1], $0xffff  }
0x1d8: {  	v18 =	vadd.f32 v19, v18;
	v19 =	vmul.f32 v23, v22;
	v22 =	vld.idx.msk [tilespmem:v16+s20+$0xFFFFFFE0 ss:$0x1], $0xffff  }
0x1d9: {  	v23 =	vld.idx.msk [tilespmem:v17+s20+$0x20 ss:$0x1], $0xffff  }
0x1da: {  	v18 =	vadd.f32 v19, v18;
	v19 =	vmul.f32 v25, v24;
	v24 =	vld.idx.msk [tilespmem:v16+s20+$0xFFFFFFF0 ss:$0x1], $0xffff  }
0x1db: {  	v25 =	vld.idx.msk [tilespmem:v17+s20+$0x30 ss:$0x1], $0xffff  }
0x1dc: {  	v18 =	vadd.f32 v19, v18;
	v19 =	vmul.f32 v20, v26;
	v20 =	vld.idx.msk [tilespmem:v16+s20+$0x0 ss:$0x1], $0xffff;
	_ =	sdelay $0x1  }
0x1dd: {  	v18 =	vadd.f32 v19, v18;
	v19 =	vmul.f32 v22, v21;
	_ =	sdelay $0x1  }
0x1de: {  	v18 =	vadd.f32 v19, v18;
	v19 =	vmul.f32 v24, v23;
	_ =	sdelay $0x1  }
0x1df: {  	v18 =	vadd.f32 v19, v18;
	v19 =	vmul.f32 v20, v25;
	_ =	sdelay $0x1  }
0x1e0: {  	v18 =	vadd.f32 v19, v18  }
.Ltmp6:
0x1e1: {  	s3 =	sadd.s32 $0x10, s3;
	(pc) =	sbr.rel @p0 .LBB2_15-.Ltmp6, $4  }
0x1e2: {  	s20 =	sshra.s32 s31, $0x2;
	[tilespmem:s3+$0x0] =	vst v18  }
0x1e3: {  	v18 =	vld.idx.msk [tilespmem:v16+s20+$0xFFFFFF90 ss:$0x1], $0xffff  }
0x1e4: {  	v19 =	vld.idx.msk [tilespmem:v17+s20+$0xFFFFFFC0 ss:$0x1], $0xffff  }
0x1e5: {  	s31 =	sadd.s32 $0x200, s31;
	v20 =	vld.idx.msk [tilespmem:v17+s20+$0xFFFFFFD0 ss:$0x1], $0xffff  }
0x1e6: {  	_ =	sdelay $0x3  }
0x1e7: {  	v21 =	vld.idx.msk [tilespmem:v16+s20+$0xFFFFFFA0 ss:$0x1], $0xffff  }
0x1e8: {  	v22 =	vld.idx.msk [tilespmem:v17+s20+$0xFFFFFFE0 ss:$0x1], $0xffff  }
0x1e9: {  	v23 =	vld.idx.msk [tilespmem:v16+s20+$0xFFFFFFB0 ss:$0x1], $0xffff  }
0x1ea: {  	v24 =	vld.idx.msk [tilespmem:v17+s20+$0xFFFFFFF0 ss:$0x1], $0xffff  }
0x1eb: {  	v25 =	vld.idx.msk [tilespmem:v16+s20+$0xFFFFFFC0 ss:$0x1], $0xffff  }
0x1ec: {  	v26 =	vld.idx.msk [tilespmem:v17+s20+$0x0 ss:$0x1], $0xffff;
	v18 =	vmul.f32 v18, v19;
	v43 =	vmul.f32 v21, v20  }
0x1ed: {  	v44 =	vld.idx.msk [tilespmem:v16+s20+$0xFFFFFFD0 ss:$0x1], $0xffff  }
0x1ee: {  	v45 =	vld.idx.msk [tilespmem:v17+s20+$0x10 ss:$0x1], $0xffff;
	v46 =	vmul.f32 v23, v22;
	v18 =	vadd.f32 v43, v18  }
0x1ef: {  	v47 =	vld.idx.msk [tilespmem:v16+s20+$0xFFFFFFE0 ss:$0x1], $0xffff  }
0x1f0: {  	v48 =	vld.idx.msk [tilespmem:v17+s20+$0x20 ss:$0x1], $0xffff;
	v49 =	vmul.f32 v25, v24;
	v18 =	vadd.f32 v46, v18  }
0x1f1: {  	v50 =	vld.idx.msk [tilespmem:v16+s20+$0xFFFFFFF0 ss:$0x1], $0xffff  }
0x1f2: {  	v17 =	vld.idx.msk [tilespmem:v17+s20+$0x30 ss:$0x1], $0xffff;
	v51 =	vmul.f32 v44, v26;
	v18 =	vadd.f32 v49, v18  }
0x1f3: {  	v16 =	vld.idx.msk [tilespmem:v16+s20+$0x0 ss:$0x1], $0xffff  }
0x1f4: {  	v52 =	vmul.f32 v47, v45;
	v18 =	vadd.f32 v51, v18;
	_ =	sdelay $0x1  }
0x1f5: {  	v53 =	vmul.f32 v50, v48;
	v18 =	vadd.f32 v52, v18;
	_ =	sdelay $0x1  }
0x1f6: {  	v16 =	vmul.f32 v16, v17;
	v18 =	vadd.f32 v53, v18;
	_ =	sdelay $0x1  }
0x1f7: {  	v16 =	vadd.f32 v16, v18  }
0x1f8: {  	s3 =	sadd.s32 $0x10, s3  }
0x1f9: {  	[tilespmem:s3+$0x0] =	vst v16  }
0x1fa: {  	v16 =	vld.idx.msk [tilespmem:v0+s5+$0x0], $0xffff  }
0x1fb: {  	v17 =	vld.idx.msk [tilespmem:v1+s5+$0x0], $0xffff;
	_ =	sdelay $0x1  }
0x1fc: {  	v54 =	vld.idx.msk [tilespmem:v2+s5+$0x0], $0xffff;
	_ =	sdelay $0x1  }
0x1fd: {  	v55 =	vld.idx.msk [tilespmem:v3+s5+$0x0], $0xffff  }
0x1fe: {  	v16 =	vadd.f32 v17, v16  }
0x1ff: {  	v17 =	vld.idx.msk [tilespmem:v4+s5+$0x0], $0xffff  }
0x200: {  	v16 =	vadd.f32 v54, v16  }
0x201: {  	v56 =	vld.idx.msk [tilespmem:v5+s5+$0x0], $0xffff  }
0x202: {  	v16 =	vadd.f32 v55, v16  }
0x203: {  	v57 =	vld.idx.msk [tilespmem:v6+s5+$0x0], $0xffff  }
0x204: {  	v16 =	vadd.f32 v17, v16  }
0x205: {  	v17 =	vld.idx.msk [tilespmem:v7+s5+$0x0], $0xffff  }
0x206: {  	v16 =	vadd.f32 v56, v16  }
0x207: {  	v58 =	vld.idx.msk [tilespmem:v8+s5+$0x0], $0xffff  }
0x208: {  	v16 =	vadd.f32 v57, v16  }
0x209: {  	v59 =	vld.idx.msk [tilespmem:v9+s5+$0x0], $0xffff  }
0x20a: {  	v16 =	vadd.f32 v17, v16  }
0x20b: {  	v17 =	vld.idx.msk [tilespmem:v10+s5+$0x0], $0xffff  }
0x20c: {  	v16 =	vadd.f32 v58, v16  }
0x20d: {  	v60 =	vld.idx.msk [tilespmem:v11+s5+$0x0], $0xffff  }
0x20e: {  	v16 =	vadd.f32 v59, v16  }
0x20f: {  	v61 =	vld.idx.msk [tilespmem:v12+s5+$0x0], $0xffff  }
0x210: {  	v16 =	vadd.f32 v17, v16  }
0x211: {  	v17 =	vld.idx.msk [tilespmem:v13+s5+$0x0], $0xffff  }
0x212: {  	v16 =	vadd.f32 v60, v16  }
0x213: {  	v62 =	vld.idx.msk [tilespmem:v14+s5+$0x0], $0xffff  }
0x214: {  	v16 =	vadd.f32 v61, v16  }
0x215: {  	v63 =	vld.idx.msk [tilespmem:v15+s5+$0x0], $0xffff  }
0x216: {  	v16 =	vadd.f32 v17, v16  }
0x217: {  	v17 =	vld [tilespmem:s2+$0x580]  }
0x218: {  	v16 =	vadd.f32 v62, v16;
	_ =	sdelay $0x1  }
0x219: {  	s17 =	sadd.s32 $0x1, s17;
	v16 =	vadd.f32 v63, v16  }
0x21a: {  	p0 =	sne.s32 s17, $0x8  }
.Ltmp7:
0x21b: {  	v16 =	vadd.f32 v17, v16;
	(pc) =	sbr.rel @p0 .LBB2_14-.Ltmp7, $4  }
0x21c: {  	_ = 	snop  }
0x21d: {  	v16 =	vmax.f32 v16, $-1.000000000e+01  }
0x21e: {  	v16 =	vmin.f32 v16, $1.000000000e+01  }
0x21f: {  	s18 =	sadd.s32 $0x800, s18;
	s19 =	sadd.s32 $0x800, s19;
	[tilespmem:s2+$0x780] =	vst v16  }
0x220: {  	s2 =	rddreg [dreg:$0x15];
	s3 =	simm.s32 $0x600  }
0x221: {  	[hbm4b:s2+s4] =	stream.linear.scatter [tilespmem:s3], [sflag:$0x12], $0x200, $0x38;
	[tilespmem:$0x18900] =	vst v63  }
0x222: {  	s20 =	rddreg [dreg:$0x16];
	s18 =	simm.s32 $0x400  }
0x223: {  	[hbm4b:s20+s4] =	stream.linear.scatter [tilespmem:s18], [sflag:$0x12], $0x200, $0x38;
	[tilespmem:$0x18900] =	vst v63  }
0x224: {  	_ =	swait.ge [sflag:s13], $0x4000  }
0x225: {  	[sflag:s13] =	ssyncset.done $0x0  }
0x226: {  	[sflag:s13] =	ssyncadd.s32 $0xFFFFC000  }
0x227: {  	_ =	swait.ge [sflag:s28], $0x4000  }
0x228: {  	[sflag:s28] =	ssyncset.done $0x0  }
0x229: {  	[sflag:s28] =	ssyncadd.s32 $0xFFFFC000  }
0x22a: {  	_ =	swait.ge [sflag:s14], $0x4000  }
0x22b: {  	[sflag:s14] =	ssyncset.done $0x0  }
0x22c: {  	[sflag:s14] =	ssyncadd.s32 $0xFFFFC000  }
0x22d: {  	_ =	swait.ge [sflag:s29], $0x4000  }
0x22e: {  	[sflag:s29] =	ssyncset.done $0x0  }
0x22f: {  	[sflag:s29] =	ssyncadd.s32 $0xFFFFC000  }
0x230: {  	_ =	swait.ge [sflag:s15], $0x4000  }
0x231: {  	[sflag:s15] =	ssyncset.done $0x0  }
0x232: {  	[sflag:s15] =	ssyncadd.s32 $0xFFFFC000  }
0x233: {  	_ =	swait.ge [sflag:s30], $0x4000  }
0x234: {  	[sflag:s30] =	ssyncset.done $0x0  }
0x235: {  	[sflag:s30] =	ssyncadd.s32 $0xFFFFC000  }
0x236: {  	_ =	swait.ge [sflag:s23], $0x200  }
0x237: {  	[sflag:s23] =	ssyncset.done $0x0  }
0x238: {  	[sflag:s23] =	ssyncadd.s32 $0xFFFFFE00  }
0x239: {  	_ =	swait.ge [sflag:s23], $0x200  }
0x23a: {  	s16 =	sadd.s32 $0x1, s16;
	s31 =	rddreg [dreg:$0x17]  }
0x23b: {  	p0 =	sne.s32 s16, s31  }
.Ltmp8:
0x23c: {  	_ = 	snop;
	(pc) =	sbr.rel @p0 .LBB2_1-.Ltmp8, $3  }
0x23d: {  	_ =	sdelay $0x1  }
0x23e: {  	[sflag:s23] =	ssyncset.done $0x0  }
0x23f: {  	[sflag:s23] =	ssyncadd.s32 $0xFFFFFE00  }
0x240: {  	_ =	sfence.sel $0x180000  }
0x241: {  	[bflag:$0x0] =	sbarrier.arrive $0xFFFF  }
0x242: {  	_ =	strace $0x90000047  }
0x243: {  	s0 =	stileid.u32;
	[bflag:$0x2] =	sbarrier.arrive $0xFFFF  }
0x244: {  	p0 =	sne.s32 s0, $0x0;
	s0 =	rddreg [dreg:$0x8]  }
0x245: {  	s0 =	sadd.s32 @!p0 $0x100000, s0  }
0x246: {  	[sflag:s0] =	ssyncadd.tile.s32 @!p0 $0x1;
	_ =	shalt  }
.Lfunc_end2:
_tile_overlayer_lowered:
.L_overlay_start_2:
0x247: {  	(tag) =	ssettag $0x2  }
0x248: {  	s0 =	rddreg [dreg:$0x0];
	s2 =	stileid.u32  }
0x249: {  	s1 =	rddreg [dreg:$0x1];
	p0 =	sne.s32 s2, $0x0  }
0x24a: {  	s3 =	rddreg [dreg:$0x2];
	[bflag:$0x3] =	sbarrier.arrive $0xFFFF;
	s2 =	simm.s32 @!p0 $0x1C13  }
0x24b: {  	[timem:s3], [sflag:s2] =	dma.local @!p0 [hbm:s0], s1  }
0x24c: {  	s0 =	simm.s32 @!p0 $0x13  }
0x24d: {  	_ =	swait.ge @!p0 [sflag:s0], s1  }
0x24e: {  	s1 =	ssub.s32 @!p0 $0x0, s1;
	[sflag:s0] =	ssyncset.done @!p0 $0x0  }
0x24f: {  	[sflag:s0] =	ssyncadd.s32 @!p0 s1  }
0x250: {  	[bflag:$0x3] =	sbarrier.arrive $0xFFFF  }
0x251: {  	_ =	shalt  }

</sc_bundles>
